<compile_context>
chip_gen: v7x
topology: tpu7x:2x2x1
jax: 0.10.2.dev20260603
libtpu: 0.0.44.dev20260713+nightly
codegen_flags: <defaults>
</compile_context>

<pallas_src>
import functools

import jax
import jax.numpy as jnp
from jax import lax
from jax.experimental import pallas as pl
from jax.experimental.pallas import tpu as pltpu
from jax.experimental.pallas import tpu_sc as plsc

N_NODES = 100000
N_EDGES = 6400000

NC = 2
NS = 16
NW = NC * NS

CHUNK = 2048
CHUNKS_PER_TILE = -(-N_EDGES // (NW * CHUNK))
EDGES_PER_TILE = CHUNKS_PER_TILE * CHUNK
E_PAD = EDGES_PER_TILE * NW

NPAD = 100352
ROWS_PER_TILE = NPAD // NS

W_DATA = 1.0
W_MASS = 0.05
W_MOMENTUM = 0.02
LOSS_CLIP_MAX = 10.0
EPS = 1e-6


def _edge_body(t0, t1, t2, t3, t4, t5, t6, t7,
               srcs_hbm, dsts_hbm, zeros_hbm, out_hbm, *refs):
    tabs = (t0, t1, t2, t3, t4, t5, t6, t7)
    sidx, didx = refs[0], refs[1]
    gs = refs[2:10]
    gd = refs[10:18]
    vp = refs[18:22]
    vn = refs[22:26]
    sh = refs[26:34]
    acc = refs[34:38]
    sem_g, sem_s = refs[38], refs[39]

    c = lax.axis_index("c")
    s = lax.axis_index("s")
    w = c * NS + s

    row0 = s * ROWS_PER_TILE
    for k in range(8):
        pltpu.sync_copy(tabs[k].at[pl.ds(row0, ROWS_PER_TILE)],
                        sh[k].at[pl.ds(row0, ROWS_PER_TILE)])
    for k in range(4):
        pltpu.sync_copy(zeros_hbm, acc[k].at[pl.ds(row0, ROWS_PER_TILE)])
    plsc.subcore_barrier()

    base_w = w * EDGES_PER_TILE

    def chunk_body(i, carry):
        base = base_w + i * CHUNK
        pltpu.sync_copy(srcs_hbm.at[pl.ds(base, CHUNK)], sidx)
        pltpu.sync_copy(dsts_hbm.at[pl.ds(base, CHUNK)], didx)
        cps = ([pltpu.async_copy(sh[k].at[sidx], gs[k], sem_g) for k in range(8)]
               + [pltpu.async_copy(sh[k].at[didx], gd[k], sem_g) for k in range(8)])
        for cp in cps:
            cp.wait()

        def group_body(g, carry2):
            o = pl.ds(g * 16, 16)
            psx, psy, psz = gs[0][o], gs[1][o], gs[2][o]
            rs = gs[3][o]
            usx, usy, usz = gs[4][o], gs[5][o], gs[6][o]
            p_s = gs[7][o]
            qdx, qdy, qdz = gd[0][o], gd[1][o], gd[2][o]
            rd = gd[3][o]
            udx, udy, udz = gd[4][o], gd[5][o], gd[6][o]
            p_d = gd[7][o]

            evx = qdx - psx
            evy = qdy - psy
            evz = qdz - psz
            s2 = evx * evx + evy * evy + evz * evz
            x = s2
            r = 1.0
            for p in (8, 4, 2, 1):
                c = x >= (2.0 ** p)
                x = jnp.where(c, x * (2.0 ** -p), x)
                r = jnp.where(c, r * (2.0 ** (p * 0.5)), r)
            for p in (16, 8, 4, 2, 1):
                c = x < (2.0 ** (1 - p))
                x = jnp.where(c, x * (2.0 ** p), x)
                r = jnp.where(c, r * (2.0 ** (-p * 0.5)), r)
            y = 1.27 - 0.2929 * x
            y = y * (1.5 - 0.5 * x * y * y)
            y = y * (1.5 - 0.5 * x * y * y)
            y = y * (1.5 - 0.5 * x * y * y)
            ln = x * y * r + 1e-8

            rho_face = 2.0 * rs * rd / (rs + rd + 1e-8)
            dot = (usx + udx) * evx + (usy + udy) * evy + (usz + udz) * evz
            fm = rho_face * (0.5 * dot) * ln
            cc = (0.5 * (p_s + p_d)) * ln
            fpx = cc * evx
            fpy = cc * evy
            fpz = cc * evz

            vp[0][o] = fm
            vp[1][o] = fpx
            vp[2][o] = fpy
            vp[3][o] = fpz
            vn[0][o] = -fm
            vn[1][o] = -fpx
            vn[2][o] = -fpy
            vn[3][o] = -fpz
            return carry2

        lax.fori_loop(0, CHUNK // 16, group_body, 0)

        for k in range(4):
            pltpu.sync_copy(vp[k], acc[k].at[didx], add=True)
            pltpu.sync_copy(vn[k], acc[k].at[sidx], add=True)
        return carry

    lax.fori_loop(0, CHUNKS_PER_TILE, chunk_body, 0)

    plsc.subcore_barrier()
    for k in range(4):
        pltpu.sync_copy(acc[k].at[pl.ds(row0, ROWS_PER_TILE)],
                        out_hbm.at[pl.ds((c * 4 + k) * NPAD + row0,
                                         ROWS_PER_TILE)])


_edge_kernel = functools.partial(
    pl.kernel,
    out_type=jax.ShapeDtypeStruct((NC * 4 * NPAD,), jnp.float32),
    mesh=plsc.VectorSubcoreMesh(core_axis_name="c", subcore_axis_name="s"),
    scratch_types=(
        [pltpu.VMEM((CHUNK,), jnp.int32)] * 2
        + [pltpu.VMEM((CHUNK,), jnp.float32)] * 16
        + [pltpu.VMEM((CHUNK,), jnp.float32)] * 8
        + [pltpu.VMEM_SHARED((NPAD,), jnp.float32)] * 8
        + [pltpu.VMEM_SHARED((NPAD,), jnp.float32)] * 4
        + [pltpu.SemaphoreType.DMA] * 2
    ),
)(_edge_body)


def _reduce_body(acc_ref, vol_ref, pp_ref, pt_ref, pm_ref, pu_ref,
                 tp_ref, tt_ref, tm_ref, tu_ref, out_ref):
    a = acc_ref[...]
    d = a[0] + a[1]
    inv_vol = 1.0 / (vol_ref[...] + 1e-8)
    div_m = d[0] * inv_vol
    grad_p = d[1:4] * inv_vol[None]
    l_mass = jnp.sum(div_m * div_m) / N_NODES
    l_mom = jnp.sum(grad_p * grad_p) / (3 * N_NODES)

    def rel2(p, t):
        r = (p - t) / (jnp.abs(t) + EPS)
        return jnp.sum(r * r)

    l_data = (rel2(pp_ref[...], tp_ref[...]) / N_NODES
              + rel2(pt_ref[...], tt_ref[...]) / N_NODES
              + rel2(pm_ref[...], tm_ref[...]) / N_NODES
              + rel2(pu_ref[...], tu_ref[...]) / (3 * N_NODES)) / 4.0

    total = (W_DATA * l_data
             + W_MASS * jnp.minimum(l_mass, LOSS_CLIP_MAX)
             + W_MOMENTUM * jnp.minimum(l_mom, LOSS_CLIP_MAX))
    out_ref[...] = jnp.reshape(total, (1, 1))


def kernel(pred_p, pred_T, pred_Mach, pred_U, pred_rho,
           target_p, target_T, target_Mach, target_U,
           node_volumes, node_positions, edge_index):
    f32 = jnp.float32
    npad = NPAD - N_NODES
    tabT = jnp.pad(
        jnp.concatenate([node_positions.T, pred_rho[None], pred_U.T,
                         pred_p[None]], axis=0).astype(f32),
        ((0, 0), (0, npad)))
    tabs = [tabT[k] for k in range(8)]
    epad = E_PAD - N_EDGES
    srcs = jnp.pad(edge_index[0], (0, epad))
    dsts = jnp.pad(edge_index[1], (0, epad))
    zeros = jnp.zeros((ROWS_PER_TILE,), f32)

    acc = _edge_kernel(*tabs, srcs, dsts, zeros)

    R = NPAD // 128
    accr = acc.reshape(NC, 4, R, 128)

    def pad1(x):
        return jnp.pad(x, (0, npad)).reshape(R, 128)

    def pad3(x):
        return jnp.pad(x.T, ((0, 0), (0, npad))).reshape(3, R, 128)

    out = pl.pallas_call(
        _reduce_body,
        out_shape=jax.ShapeDtypeStruct((1, 1), f32),
    )(accr, pad1(node_volumes),
      pad1(pred_p), pad1(pred_T), pad1(pred_Mach), pad3(pred_U),
      pad1(target_p), pad1(target_T), pad1(target_Mach), pad3(target_U))
    return out[0, 0]

# --- scband reference (transcript-rebuilt; emitter-appended) ---
"""Pipeline reference for scband-physics-informed-loss-10934986735710 (READ-ONLY COPY).

The authoritative reference and input builder live on the scoring server;
editing this copy changes nothing except your own understanding.
"""

import jax, jax.numpy as jnp
import numpy as np

N_NODES = 100000
N_EDGES = 6400000
SPATIAL_DIM = 3

# loss weights (PhysicsConfig defaults; forward requires an explicit weights dict
# since PhysicsConfig has no .loss_weights attribute)
W_DATA = 1.0
W_MASS = 0.05
W_MOMENTUM = 0.02
W_ENERGY = 0.05
W_BC = 0.03
W_TURB = 0.01
LOSS_CLIP_MAX = 10.0
EPS = 1e-6


def setup_inputs(seed: int = 0) -> dict:
    key = jax.random.key(seed)
    ks = jax.random.split(key, 12)
    return {
        "pred_p": jax.random.uniform(ks[0], (N_NODES,), dtype=jnp.float32),
        "pred_T": jax.random.uniform(ks[1], (N_NODES,), dtype=jnp.float32),
        "pred_Mach": jax.random.uniform(ks[2], (N_NODES,), dtype=jnp.float32),
        "pred_U": jax.random.normal(ks[3], (N_NODES, SPATIAL_DIM), dtype=jnp.float32),
        "pred_rho": jax.random.uniform(ks[4], (N_NODES,), dtype=jnp.float32),
        "target_p": jax.random.uniform(ks[5], (N_NODES,), dtype=jnp.float32),
        "target_T": jax.random.uniform(ks[6], (N_NODES,), dtype=jnp.float32),
        "target_Mach": jax.random.uniform(ks[7], (N_NODES,), dtype=jnp.float32),
        "target_U": jax.random.normal(ks[8], (N_NODES, SPATIAL_DIM), dtype=jnp.float32),
        "node_volumes": jax.random.uniform(ks[9], (N_NODES,), dtype=jnp.float32),
        "node_positions": jax.random.normal(ks[10], (N_NODES, SPATIAL_DIM), dtype=jnp.float32),
        "edge_index": jax.random.randint(ks[11], (2, N_EDGES), 0, N_NODES, dtype=jnp.int32),
    }


def _data_loss(pred_p, pred_T, pred_Mach, pred_U, target_p, target_T, target_Mach, target_U):
    loss = 0.0
    n_vars = 0
    for pv, tv in ((pred_p, target_p), (pred_T, target_T), (pred_Mach, target_Mach), (pred_U, target_U)):
        rel_error = (pv - tv) / (jnp.abs(tv) + EPS)
        loss = loss + jnp.mean(rel_error ** 2)
        n_vars += 1
    return loss / max(n_vars, 1)


def _edge_geometry(pos, src, dst):
    edge_vec = pos[dst] - pos[src]
    edge_len = jnp.linalg.norm(edge_vec, axis=1, keepdims=True) + 1e-8
    edge_unit = edge_vec / edge_len
    # spatial_dim == 3 -> area ~ len^2
    edge_area = jnp.squeeze(edge_len, axis=1) ** 2
    return edge_unit, edge_area


def _mass_conservation_loss(rho, U, pos, node_volumes, src, dst):
    edge_unit, edge_area = _edge_geometry(pos, src, dst)
    # harmonic mass-flux scheme (PhysicsConfig default)
    rho_face = 2.0 * rho[src] * rho[dst] / (rho[src] + rho[dst] + 1e-8)
    U_face = (U[src] + U[dst]) / 2.0
    U_normal = jnp.sum(U_face * edge_unit, axis=1)
    flux_mass = rho_face * U_normal * edge_area
    flux_out = jax.ops.segment_sum(flux_mass, dst, num_segments=N_NODES)
    flux_in = jax.ops.segment_sum(flux_mass, src, num_segments=N_NODES)
    divergence = (flux_out - flux_in) / (node_volumes + 1e-8)
    return jnp.mean(divergence ** 2)


def _momentum_conservation_loss(p, U, rho, pos, node_volumes, src, dst):
    # simplified momentum residual (momentum_loss_simplified=True):
    # divergence of pressure surface flux per node
    edge_unit, edge_area = _edge_geometry(pos, src, dst)
    p_face = (p[src] + p[dst]) / 2.0
    flux_p = p_face[:, None] * edge_unit * edge_area[:, None]
    flux_out = jax.ops.segment_sum(flux_p, dst, num_segments=N_NODES)
    flux_in = jax.ops.segment_sum(flux_p, src, num_segments=N_NODES)
    grad_p = (flux_out - flux_in) / (node_volumes[:, None] + 1e-8)
    return jnp.mean(grad_p ** 2)


def reference(pred_p, pred_T, pred_Mach, pred_U, pred_rho,
              target_p, target_T, target_Mach, target_U,
              node_volumes, node_positions, edge_index):
    src = edge_index[0]
    dst = edge_index[1]
    L_data = _data_loss(pred_p, pred_T, pred_Mach, pred_U,
                        target_p, target_T, target_Mach, target_U)
    L_mass = _mass_conservation_loss(pred_rho, pred_U, node_positions, node_volumes, src, dst)
    L_momentum = _momentum_conservation_loss(pred_p, pred_U, pred_rho, node_positions, node_volumes, src, dst)
    L_energy = jnp.array(0.0, dtype=jnp.float32)
    L_bc = jnp.array(0.0, dtype=jnp.float32)
    L_turb = jnp.array(0.0, dtype=jnp.float32)
    # loss clipping (loss_clip_max = 10.0)
    L_mass = jnp.minimum(L_mass, LOSS_CLIP_MAX)
    L_momentum = jnp.minimum(L_momentum, LOSS_CLIP_MAX)
    L_energy = jnp.minimum(L_energy, LOSS_CLIP_MAX)
    L_bc = jnp.minimum(L_bc, LOSS_CLIP_MAX)
    L_turb = jnp.minimum(L_turb, LOSS_CLIP_MAX)
    L_total = (W_DATA * L_data + W_MASS * L_mass + W_MOMENTUM * L_momentum
               + W_ENERGY * L_energy + W_BC * L_bc + W_TURB * L_turb)
    return L_total

if __name__ == "__main__":
    import jax
    _d = setup_inputs()
    print(jax.jit(kernel)(*tuple(_d.values())))

</pallas_src>

<mosaic_0001>
#map = affine_map<(d0, d1) -> (0)>
module attributes {stable_mosaic.version = 14 : i64} {
  func.func @_edge_body(%arg0: i32, %arg1: i32, %arg2: memref<100352xf32, #tpu.memory_space<hbm>>, %arg3: memref<100352xf32, #tpu.memory_space<hbm>>, %arg4: memref<100352xf32, #tpu.memory_space<hbm>>, %arg5: memref<100352xf32, #tpu.memory_space<hbm>>, %arg6: memref<100352xf32, #tpu.memory_space<hbm>>, %arg7: memref<100352xf32, #tpu.memory_space<hbm>>, %arg8: memref<100352xf32, #tpu.memory_space<hbm>>, %arg9: memref<100352xf32, #tpu.memory_space<hbm>>, %arg10: memref<6422528xi32, #tpu.memory_space<hbm>>, %arg11: memref<6422528xi32, #tpu.memory_space<hbm>>, %arg12: memref<6272xf32, #tpu.memory_space<hbm>>, %arg13: memref<802816xf32, #tpu.memory_space<hbm>>, %arg14: memref<2048xi32, #tpu.memory_space<vmem>>, %arg15: memref<2048xi32, #tpu.memory_space<vmem>>, %arg16: memref<2048xf32, #tpu.memory_space<vmem>>, %arg17: memref<2048xf32, #tpu.memory_space<vmem>>, %arg18: memref<2048xf32, #tpu.memory_space<vmem>>, %arg19: memref<2048xf32, #tpu.memory_space<vmem>>, %arg20: memref<2048xf32, #tpu.memory_space<vmem>>, %arg21: memref<2048xf32, #tpu.memory_space<vmem>>, %arg22: memref<2048xf32, #tpu.memory_space<vmem>>, %arg23: memref<2048xf32, #tpu.memory_space<vmem>>, %arg24: memref<2048xf32, #tpu.memory_space<vmem>>, %arg25: memref<2048xf32, #tpu.memory_space<vmem>>, %arg26: memref<2048xf32, #tpu.memory_space<vmem>>, %arg27: memref<2048xf32, #tpu.memory_space<vmem>>, %arg28: memref<2048xf32, #tpu.memory_space<vmem>>, %arg29: memref<2048xf32, #tpu.memory_space<vmem>>, %arg30: memref<2048xf32, #tpu.memory_space<vmem>>, %arg31: memref<2048xf32, #tpu.memory_space<vmem>>, %arg32: memref<2048xf32, #tpu.memory_space<vmem>>, %arg33: memref<2048xf32, #tpu.memory_space<vmem>>, %arg34: memref<2048xf32, #tpu.memory_space<vmem>>, %arg35: memref<2048xf32, #tpu.memory_space<vmem>>, %arg36: memref<2048xf32, #tpu.memory_space<vmem>>, %arg37: memref<2048xf32, #tpu.memory_space<vmem>>, %arg38: memref<2048xf32, #tpu.memory_space<vmem>>, %arg39: memref<2048xf32, #tpu.memory_space<vmem>>, %arg40: memref<100352xf32, #tpu.memory_space<vmem_shared>>, %arg41: memref<100352xf32, #tpu.memory_space<vmem_shared>>, %arg42: memref<100352xf32, #tpu.memory_space<vmem_shared>>, %arg43: memref<100352xf32, #tpu.memory_space<vmem_shared>>, %arg44: memref<100352xf32, #tpu.memory_space<vmem_shared>>, %arg45: memref<100352xf32, #tpu.memory_space<vmem_shared>>, %arg46: memref<100352xf32, #tpu.memory_space<vmem_shared>>, %arg47: memref<100352xf32, #tpu.memory_space<vmem_shared>>, %arg48: memref<100352xf32, #tpu.memory_space<vmem_shared>>, %arg49: memref<100352xf32, #tpu.memory_space<vmem_shared>>, %arg50: memref<100352xf32, #tpu.memory_space<vmem_shared>>, %arg51: memref<100352xf32, #tpu.memory_space<vmem_shared>>, %arg52: memref<!tpu.dma_semaphore, #tpu.memory_space<semaphore_mem>>, %arg53: memref<!tpu.dma_semaphore, #tpu.memory_space<semaphore_mem>>) attributes {dimension_semantics = [#tpu.dimension_semantics<core_parallel>, #tpu.dimension_semantics<subcore_parallel>], iteration_bounds = array<i64: 2, 16>, scalar_prefetch = 0 : i64, scratch_operands = 40 : i64, tpu.core_type = #tpu.core_type<sc_vector_subcore>, window_params = [{transform_indices = #map}, {transform_indices = #map}, {transform_indices = #map}, {transform_indices = #map}, {transform_indices = #map}, {transform_indices = #map}, {transform_indices = #map}, {transform_indices = #map}, {transform_indices = #map}, {transform_indices = #map}, {transform_indices = #map}, {transform_indices = #map}]} {
    %mul3A = arith.constant 16 : i32
    %mul3A_0 = arith.muli %arg0, %mul3A : i32
    %add3A = arith.addi %mul3A_0, %arg1 : i32
    %mul3A_1 = arith.constant 6272 : i32
    %mul3A_2 = arith.muli %arg1, %mul3A_1 : i32
    "tpu.region"() ({
      %run_scoped3A = tpu.sem_alloc : memref<!tpu.dma_semaphore, #tpu.memory_space<semaphore_mem>>
      %dma_start3A = tpu.memref_slice %arg40[%mul3A_2] : memref<100352xf32, #tpu.memory_space<vmem_shared>> -> memref<6272xf32, #tpu.memory_space<vmem_shared>>
      %dma_start3A_39 = tpu.memref_slice %arg2[%mul3A_2] : memref<100352xf32, #tpu.memory_space<hbm>> -> memref<6272xf32, #tpu.memory_space<hbm>>
      tpu.enqueue_dma source(%dma_start3A_39 : memref<6272xf32, #tpu.memory_space<hbm>>) target(%dma_start3A : memref<6272xf32, #tpu.memory_space<vmem_shared>>) target_semaphore(%run_scoped3A : memref<!tpu.dma_semaphore, #tpu.memory_space<semaphore_mem>>)
      %dma_wait3A = tpu.memref_slice %arg40[%mul3A_2] : memref<100352xf32, #tpu.memory_space<vmem_shared>> -> memref<6272xf32, #tpu.memory_space<vmem_shared>>
      %dma_wait3A_40 = tpu.memref_slice %arg2[%mul3A_2] : memref<100352xf32, #tpu.memory_space<hbm>> -> memref<6272xf32, #tpu.memory_space<hbm>>
      tpu.wait_dma2 semaphore(%run_scoped3A : memref<!tpu.dma_semaphore, #tpu.memory_space<semaphore_mem>>) src(%dma_wait3A_40 : memref<6272xf32, #tpu.memory_space<hbm>>) dst(%dma_wait3A : memref<6272xf32, #tpu.memory_space<vmem_shared>>)
      tpu.yield
    }) : () -> ()
    "tpu.region"() ({
      %run_scoped3A = tpu.sem_alloc : memref<!tpu.dma_semaphore, #tpu.memory_space<semaphore_mem>>
      %dma_start3A = tpu.memref_slice %arg41[%mul3A_2] : memref<100352xf32, #tpu.memory_space<vmem_shared>> -> memref<6272xf32, #tpu.memory_space<vmem_shared>>
      %dma_start3A_39 = tpu.memref_slice %arg3[%mul3A_2] : memref<100352xf32, #tpu.memory_space<hbm>> -> memref<6272xf32, #tpu.memory_space<hbm>>
      tpu.enqueue_dma source(%dma_start3A_39 : memref<6272xf32, #tpu.memory_space<hbm>>) target(%dma_start3A : memref<6272xf32, #tpu.memory_space<vmem_shared>>) target_semaphore(%run_scoped3A : memref<!tpu.dma_semaphore, #tpu.memory_space<semaphore_mem>>)
      %dma_wait3A = tpu.memref_slice %arg41[%mul3A_2] : memref<100352xf32, #tpu.memory_space<vmem_shared>> -> memref<6272xf32, #tpu.memory_space<vmem_shared>>
      %dma_wait3A_40 = tpu.memref_slice %arg3[%mul3A_2] : memref<100352xf32, #tpu.memory_space<hbm>> -> memref<6272xf32, #tpu.memory_space<hbm>>
      tpu.wait_dma2 semaphore(%run_scoped3A : memref<!tpu.dma_semaphore, #tpu.memory_space<semaphore_mem>>) src(%dma_wait3A_40 : memref<6272xf32, #tpu.memory_space<hbm>>) dst(%dma_wait3A : memref<6272xf32, #tpu.memory_space<vmem_shared>>)
      tpu.yield
    }) : () -> ()
    "tpu.region"() ({
      %run_scoped3A = tpu.sem_alloc : memref<!tpu.dma_semaphore, #tpu.memory_space<semaphore_mem>>
      %dma_start3A = tpu.memref_slice %arg42[%mul3A_2] : memref<100352xf32, #tpu.memory_space<vmem_shared>> -> memref<6272xf32, #tpu.memory_space<vmem_shared>>
      %dma_start3A_39 = tpu.memref_slice %arg4[%mul3A_2] : memref<100352xf32, #tpu.memory_space<hbm>> -> memref<6272xf32, #tpu.memory_space<hbm>>
      tpu.enqueue_dma source(%dma_start3A_39 : memref<6272xf32, #tpu.memory_space<hbm>>) target(%dma_start3A : memref<6272xf32, #tpu.memory_space<vmem_shared>>) target_semaphore(%run_scoped3A : memref<!tpu.dma_semaphore, #tpu.memory_space<semaphore_mem>>)
      %dma_wait3A = tpu.memref_slice %arg42[%mul3A_2] : memref<100352xf32, #tpu.memory_space<vmem_shared>> -> memref<6272xf32, #tpu.memory_space<vmem_shared>>
      %dma_wait3A_40 = tpu.memref_slice %arg4[%mul3A_2] : memref<100352xf32, #tpu.memory_space<hbm>> -> memref<6272xf32, #tpu.memory_space<hbm>>
      tpu.wait_dma2 semaphore(%run_scoped3A : memref<!tpu.dma_semaphore, #tpu.memory_space<semaphore_mem>>) src(%dma_wait3A_40 : memref<6272xf32, #tpu.memory_space<hbm>>) dst(%dma_wait3A : memref<6272xf32, #tpu.memory_space<vmem_shared>>)
      tpu.yield
    }) : () -> ()
    "tpu.region"() ({
      %run_scoped3A = tpu.sem_alloc : memref<!tpu.dma_semaphore, #tpu.memory_space<semaphore_mem>>
      %dma_start3A = tpu.memref_slice %arg43[%mul3A_2] : memref<100352xf32, #tpu.memory_space<vmem_shared>> -> memref<6272xf32, #tpu.memory_space<vmem_shared>>
      %dma_start3A_39 = tpu.memref_slice %arg5[%mul3A_2] : memref<100352xf32, #tpu.memory_space<hbm>> -> memref<6272xf32, #tpu.memory_space<hbm>>
      tpu.enqueue_dma source(%dma_start3A_39 : memref<6272xf32, #tpu.memory_space<hbm>>) target(%dma_start3A : memref<6272xf32, #tpu.memory_space<vmem_shared>>) target_semaphore(%run_scoped3A : memref<!tpu.dma_semaphore, #tpu.memory_space<semaphore_mem>>)
      %dma_wait3A = tpu.memref_slice %arg43[%mul3A_2] : memref<100352xf32, #tpu.memory_space<vmem_shared>> -> memref<6272xf32, #tpu.memory_space<vmem_shared>>
      %dma_wait3A_40 = tpu.memref_slice %arg5[%mul3A_2] : memref<100352xf32, #tpu.memory_space<hbm>> -> memref<6272xf32, #tpu.memory_space<hbm>>
      tpu.wait_dma2 semaphore(%run_scoped3A : memref<!tpu.dma_semaphore, #tpu.memory_space<semaphore_mem>>) src(%dma_wait3A_40 : memref<6272xf32, #tpu.memory_space<hbm>>) dst(%dma_wait3A : memref<6272xf32, #tpu.memory_space<vmem_shared>>)
      tpu.yield
    }) : () -> ()
    "tpu.region"() ({
      %run_scoped3A = tpu.sem_alloc : memref<!tpu.dma_semaphore, #tpu.memory_space<semaphore_mem>>
      %dma_start3A = tpu.memref_slice %arg44[%mul3A_2] : memref<100352xf32, #tpu.memory_space<vmem_shared>> -> memref<6272xf32, #tpu.memory_space<vmem_shared>>
      %dma_start3A_39 = tpu.memref_slice %arg6[%mul3A_2] : memref<100352xf32, #tpu.memory_space<hbm>> -> memref<6272xf32, #tpu.memory_space<hbm>>
      tpu.enqueue_dma source(%dma_start3A_39 : memref<6272xf32, #tpu.memory_space<hbm>>) target(%dma_start3A : memref<6272xf32, #tpu.memory_space<vmem_shared>>) target_semaphore(%run_scoped3A : memref<!tpu.dma_semaphore, #tpu.memory_space<semaphore_mem>>)
      %dma_wait3A = tpu.memref_slice %arg44[%mul3A_2] : memref<100352xf32, #tpu.memory_space<vmem_shared>> -> memref<6272xf32, #tpu.memory_space<vmem_shared>>
      %dma_wait3A_40 = tpu.memref_slice %arg6[%mul3A_2] : memref<100352xf32, #tpu.memory_space<hbm>> -> memref<6272xf32, #tpu.memory_space<hbm>>
      tpu.wait_dma2 semaphore(%run_scoped3A : memref<!tpu.dma_semaphore, #tpu.memory_space<semaphore_mem>>) src(%dma_wait3A_40 : memref<6272xf32, #tpu.memory_space<hbm>>) dst(%dma_wait3A : memref<6272xf32, #tpu.memory_space<vmem_shared>>)
      tpu.yield
    }) : () -> ()
    "tpu.region"() ({
      %run_scoped3A = tpu.sem_alloc : memref<!tpu.dma_semaphore, #tpu.memory_space<semaphore_mem>>
      %dma_start3A = tpu.memref_slice %arg45[%mul3A_2] : memref<100352xf32, #tpu.memory_space<vmem_shared>> -> memref<6272xf32, #tpu.memory_space<vmem_shared>>
      %dma_start3A_39 = tpu.memref_slice %arg7[%mul3A_2] : memref<100352xf32, #tpu.memory_space<hbm>> -> memref<6272xf32, #tpu.memory_space<hbm>>
      tpu.enqueue_dma source(%dma_start3A_39 : memref<6272xf32, #tpu.memory_space<hbm>>) target(%dma_start3A : memref<6272xf32, #tpu.memory_space<vmem_shared>>) target_semaphore(%run_scoped3A : memref<!tpu.dma_semaphore, #tpu.memory_space<semaphore_mem>>)
      %dma_wait3A = tpu.memref_slice %arg45[%mul3A_2] : memref<100352xf32, #tpu.memory_space<vmem_shared>> -> memref<6272xf32, #tpu.memory_space<vmem_shared>>
      %dma_wait3A_40 = tpu.memref_slice %arg7[%mul3A_2] : memref<100352xf32, #tpu.memory_space<hbm>> -> memref<6272xf32, #tpu.memory_space<hbm>>
      tpu.wait_dma2 semaphore(%run_scoped3A : memref<!tpu.dma_semaphore, #tpu.memory_space<semaphore_mem>>) src(%dma_wait3A_40 : memref<6272xf32, #tpu.memory_space<hbm>>) dst(%dma_wait3A : memref<6272xf32, #tpu.memory_space<vmem_shared>>)
      tpu.yield
    }) : () -> ()
    "tpu.region"() ({
      %run_scoped3A = tpu.sem_alloc : memref<!tpu.dma_semaphore, #tpu.memory_space<semaphore_mem>>
      %dma_start3A = tpu.memref_slice %arg46[%mul3A_2] : memref<100352xf32, #tpu.memory_space<vmem_shared>> -> memref<6272xf32, #tpu.memory_space<vmem_shared>>
      %dma_start3A_39 = tpu.memref_slice %arg8[%mul3A_2] : memref<100352xf32, #tpu.memory_space<hbm>> -> memref<6272xf32, #tpu.memory_space<hbm>>
      tpu.enqueue_dma source(%dma_start3A_39 : memref<6272xf32, #tpu.memory_space<hbm>>) target(%dma_start3A : memref<6272xf32, #tpu.memory_space<vmem_shared>>) target_semaphore(%run_scoped3A : memref<!tpu.dma_semaphore, #tpu.memory_space<semaphore_mem>>)
      %dma_wait3A = tpu.memref_slice %arg46[%mul3A_2] : memref<100352xf32, #tpu.memory_space<vmem_shared>> -> memref<6272xf32, #tpu.memory_space<vmem_shared>>
      %dma_wait3A_40 = tpu.memref_slice %arg8[%mul3A_2] : memref<100352xf32, #tpu.memory_space<hbm>> -> memref<6272xf32, #tpu.memory_space<hbm>>
      tpu.wait_dma2 semaphore(%run_scoped3A : memref<!tpu.dma_semaphore, #tpu.memory_space<semaphore_mem>>) src(%dma_wait3A_40 : memref<6272xf32, #tpu.memory_space<hbm>>) dst(%dma_wait3A : memref<6272xf32, #tpu.memory_space<vmem_shared>>)
      tpu.yield
    }) : () -> ()
    "tpu.region"() ({
      %run_scoped3A = tpu.sem_alloc : memref<!tpu.dma_semaphore, #tpu.memory_space<semaphore_mem>>
      %dma_start3A = tpu.memref_slice %arg47[%mul3A_2] : memref<100352xf32, #tpu.memory_space<vmem_shared>> -> memref<6272xf32, #tpu.memory_space<vmem_shared>>
      %dma_start3A_39 = tpu.memref_slice %arg9[%mul3A_2] : memref<100352xf32, #tpu.memory_space<hbm>> -> memref<6272xf32, #tpu.memory_space<hbm>>
      tpu.enqueue_dma source(%dma_start3A_39 : memref<6272xf32, #tpu.memory_space<hbm>>) target(%dma_start3A : memref<6272xf32, #tpu.memory_space<vmem_shared>>) target_semaphore(%run_scoped3A : memref<!tpu.dma_semaphore, #tpu.memory_space<semaphore_mem>>)
      %dma_wait3A = tpu.memref_slice %arg47[%mul3A_2] : memref<100352xf32, #tpu.memory_space<vmem_shared>> -> memref<6272xf32, #tpu.memory_space<vmem_shared>>
      %dma_wait3A_40 = tpu.memref_slice %arg9[%mul3A_2] : memref<100352xf32, #tpu.memory_space<hbm>> -> memref<6272xf32, #tpu.memory_space<hbm>>
      tpu.wait_dma2 semaphore(%run_scoped3A : memref<!tpu.dma_semaphore, #tpu.memory_space<semaphore_mem>>) src(%dma_wait3A_40 : memref<6272xf32, #tpu.memory_space<hbm>>) dst(%dma_wait3A : memref<6272xf32, #tpu.memory_space<vmem_shared>>)
      tpu.yield
    }) : () -> ()
    "tpu.region"() ({
      %run_scoped3A = tpu.sem_alloc : memref<!tpu.dma_semaphore, #tpu.memory_space<semaphore_mem>>
      %dma_start3A = tpu.memref_slice %arg48[%mul3A_2] : memref<100352xf32, #tpu.memory_space<vmem_shared>> -> memref<6272xf32, #tpu.memory_space<vmem_shared>>
      tpu.enqueue_dma source(%arg12 : memref<6272xf32, #tpu.memory_space<hbm>>) target(%dma_start3A : memref<6272xf32, #tpu.memory_space<vmem_shared>>) target_semaphore(%run_scoped3A : memref<!tpu.dma_semaphore, #tpu.memory_space<semaphore_mem>>)
      %dma_wait3A = tpu.memref_slice %arg48[%mul3A_2] : memref<100352xf32, #tpu.memory_space<vmem_shared>> -> memref<6272xf32, #tpu.memory_space<vmem_shared>>
      tpu.wait_dma2 semaphore(%run_scoped3A : memref<!tpu.dma_semaphore, #tpu.memory_space<semaphore_mem>>) src(%arg12 : memref<6272xf32, #tpu.memory_space<hbm>>) dst(%dma_wait3A : memref<6272xf32, #tpu.memory_space<vmem_shared>>)
      tpu.yield
    }) : () -> ()
    "tpu.region"() ({
      %run_scoped3A = tpu.sem_alloc : memref<!tpu.dma_semaphore, #tpu.memory_space<semaphore_mem>>
      %dma_start3A = tpu.memref_slice %arg49[%mul3A_2] : memref<100352xf32, #tpu.memory_space<vmem_shared>> -> memref<6272xf32, #tpu.memory_space<vmem_shared>>
      tpu.enqueue_dma source(%arg12 : memref<6272xf32, #tpu.memory_space<hbm>>) target(%dma_start3A : memref<6272xf32, #tpu.memory_space<vmem_shared>>) target_semaphore(%run_scoped3A : memref<!tpu.dma_semaphore, #tpu.memory_space<semaphore_mem>>)
      %dma_wait3A = tpu.memref_slice %arg49[%mul3A_2] : memref<100352xf32, #tpu.memory_space<vmem_shared>> -> memref<6272xf32, #tpu.memory_space<vmem_shared>>
      tpu.wait_dma2 semaphore(%run_scoped3A : memref<!tpu.dma_semaphore, #tpu.memory_space<semaphore_mem>>) src(%arg12 : memref<6272xf32, #tpu.memory_space<hbm>>) dst(%dma_wait3A : memref<6272xf32, #tpu.memory_space<vmem_shared>>)
      tpu.yield
    }) : () -> ()
    "tpu.region"() ({
      %run_scoped3A = tpu.sem_alloc : memref<!tpu.dma_semaphore, #tpu.memory_space<semaphore_mem>>
      %dma_start3A = tpu.memref_slice %arg50[%mul3A_2] : memref<100352xf32, #tpu.memory_space<vmem_shared>> -> memref<6272xf32, #tpu.memory_space<vmem_shared>>
      tpu.enqueue_dma source(%arg12 : memref<6272xf32, #tpu.memory_space<hbm>>) target(%dma_start3A : memref<6272xf32, #tpu.memory_space<vmem_shared>>) target_semaphore(%run_scoped3A : memref<!tpu.dma_semaphore, #tpu.memory_space<semaphore_mem>>)
      %dma_wait3A = tpu.memref_slice %arg50[%mul3A_2] : memref<100352xf32, #tpu.memory_space<vmem_shared>> -> memref<6272xf32, #tpu.memory_space<vmem_shared>>
      tpu.wait_dma2 semaphore(%run_scoped3A : memref<!tpu.dma_semaphore, #tpu.memory_space<semaphore_mem>>) src(%arg12 : memref<6272xf32, #tpu.memory_space<hbm>>) dst(%dma_wait3A : memref<6272xf32, #tpu.memory_space<vmem_shared>>)
      tpu.yield
    }) : () -> ()
    "tpu.region"() ({
      %run_scoped3A = tpu.sem_alloc : memref<!tpu.dma_semaphore, #tpu.memory_space<semaphore_mem>>
      %dma_start3A = tpu.memref_slice %arg51[%mul3A_2] : memref<100352xf32, #tpu.memory_space<vmem_shared>> -> memref<6272xf32, #tpu.memory_space<vmem_shared>>
      tpu.enqueue_dma source(%arg12 : memref<6272xf32, #tpu.memory_space<hbm>>) target(%dma_start3A : memref<6272xf32, #tpu.memory_space<vmem_shared>>) target_semaphore(%run_scoped3A : memref<!tpu.dma_semaphore, #tpu.memory_space<semaphore_mem>>)
      %dma_wait3A = tpu.memref_slice %arg51[%mul3A_2] : memref<100352xf32, #tpu.memory_space<vmem_shared>> -> memref<6272xf32, #tpu.memory_space<vmem_shared>>
      tpu.wait_dma2 semaphore(%run_scoped3A : memref<!tpu.dma_semaphore, #tpu.memory_space<semaphore_mem>>) src(%arg12 : memref<6272xf32, #tpu.memory_space<hbm>>) dst(%dma_wait3A : memref<6272xf32, #tpu.memory_space<vmem_shared>>)
      tpu.yield
    }) : () -> ()
    %barrier3A = arith.constant 0 : index
    tpu.barrier barrier_id(%barrier3A)
    %mul3A_3 = arith.constant 200704 : i32
    %mul3A_4 = arith.muli %add3A, %mul3A_3 : i32
    %scan3A = arith.constant 0 : i32
    %scan3A_5 = arith.constant 0 : i32
    %scan3A_6 = arith.constant 98 : i32
    %scan3A_7 = arith.addi %scan3A_5, %scan3A_6 : i32
    %scan3A_8 = arith.constant 1 : i32
    scf.for %scan3A_39 = %scan3A_5 to %scan3A_7 step %scan3A_8  : i32 {
      %mul3A_40 = arith.constant 2048 : i32
      %mul3A_41 = arith.muli %scan3A_39, %mul3A_40 : i32
      %add3A_42 = arith.addi %mul3A_4, %mul3A_41 : i32
      "tpu.region"() ({
        %run_scoped3A = tpu.sem_alloc : memref<!tpu.dma_semaphore, #tpu.memory_space<semaphore_mem>>
        %dma_start3A_111 = tpu.memref_slice %arg10[%add3A_42] : memref<6422528xi32, #tpu.memory_space<hbm>> -> memref<2048xi32, #tpu.memory_space<hbm>>
        %dma_start3A_112 = tpu.memref_slice %arg10[%add3A_42] : memref<6422528xi32, #tpu.memory_space<hbm>> -> memref<2048xi32, #tpu.memory_space<hbm>>
        tpu.enqueue_dma source(%dma_start3A_112 : memref<2048xi32, #tpu.memory_space<hbm>>) target(%arg14 : memref<2048xi32, #tpu.memory_space<vmem>>) target_semaphore(%run_scoped3A : memref<!tpu.dma_semaphore, #tpu.memory_space<semaphore_mem>>)
        %dma_wait3A_113 = tpu.memref_slice %arg10[%add3A_42] : memref<6422528xi32, #tpu.memory_space<hbm>> -> memref<2048xi32, #tpu.memory_space<hbm>>
        %dma_wait3A_114 = tpu.memref_slice %arg10[%add3A_42] : memref<6422528xi32, #tpu.memory_space<hbm>> -> memref<2048xi32, #tpu.memory_space<hbm>>
        tpu.wait_dma2 semaphore(%run_scoped3A : memref<!tpu.dma_semaphore, #tpu.memory_space<semaphore_mem>>) src(%dma_wait3A_114 : memref<2048xi32, #tpu.memory_space<hbm>>) dst(%arg14 : memref<2048xi32, #tpu.memory_space<vmem>>)
        tpu.yield
      }) : () -> ()
      "tpu.region"() ({
        %run_scoped3A = tpu.sem_alloc : memref<!tpu.dma_semaphore, #tpu.memory_space<semaphore_mem>>
        %dma_start3A_111 = tpu.memref_slice %arg11[%add3A_42] : memref<6422528xi32, #tpu.memory_space<hbm>> -> memref<2048xi32, #tpu.memory_space<hbm>>
        %dma_start3A_112 = tpu.memref_slice %arg11[%add3A_42] : memref<6422528xi32, #tpu.memory_space<hbm>> -> memref<2048xi32, #tpu.memory_space<hbm>>
        tpu.enqueue_dma source(%dma_start3A_112 : memref<2048xi32, #tpu.memory_space<hbm>>) target(%arg15 : memref<2048xi32, #tpu.memory_space<vmem>>) target_semaphore(%run_scoped3A : memref<!tpu.dma_semaphore, #tpu.memory_space<semaphore_mem>>)
        %dma_wait3A_113 = tpu.memref_slice %arg11[%add3A_42] : memref<6422528xi32, #tpu.memory_space<hbm>> -> memref<2048xi32, #tpu.memory_space<hbm>>
        %dma_wait3A_114 = tpu.memref_slice %arg11[%add3A_42] : memref<6422528xi32, #tpu.memory_space<hbm>> -> memref<2048xi32, #tpu.memory_space<hbm>>
        tpu.wait_dma2 semaphore(%run_scoped3A : memref<!tpu.dma_semaphore, #tpu.memory_space<semaphore_mem>>) src(%dma_wait3A_114 : memref<2048xi32, #tpu.memory_space<hbm>>) dst(%arg15 : memref<2048xi32, #tpu.memory_space<vmem>>)
        tpu.yield
      }) : () -> ()
      %dma_start3A = arith.constant 0 : i32
      %dma_start3A_43 = tpu.memref_slice %arg40[%dma_start3A] : memref<100352xf32, #tpu.memory_space<vmem_shared>> -> memref<100352xf32, #tpu.memory_space<vmem_shared>>
      tpu.enqueue_indirect_dma source(%dma_start3A_43 : memref<100352xf32, #tpu.memory_space<vmem_shared>>) target(%arg16 : memref<2048xf32, #tpu.memory_space<vmem>>) offsets(%arg14 : memref<2048xi32, #tpu.memory_space<vmem>>) semaphore(%arg52 : memref<!tpu.dma_semaphore, #tpu.memory_space<semaphore_mem>>)
      %dma_start3A_44 = arith.constant 0 : i32
      %dma_start3A_45 = tpu.memref_slice %arg41[%dma_start3A_44] : memref<100352xf32, #tpu.memory_space<vmem_shared>> -> memref<100352xf32, #tpu.memory_space<vmem_shared>>
      tpu.enqueue_indirect_dma source(%dma_start3A_45 : memref<100352xf32, #tpu.memory_space<vmem_shared>>) target(%arg17 : memref<2048xf32, #tpu.memory_space<vmem>>) offsets(%arg14 : memref<2048xi32, #tpu.memory_space<vmem>>) semaphore(%arg52 : memref<!tpu.dma_semaphore, #tpu.memory_space<semaphore_mem>>)
      %dma_start3A_46 = arith.constant 0 : i32
      %dma_start3A_47 = tpu.memref_slice %arg42[%dma_start3A_46] : memref<100352xf32, #tpu.memory_space<vmem_shared>> -> memref<100352xf32, #tpu.memory_space<vmem_shared>>
      tpu.enqueue_indirect_dma source(%dma_start3A_47 : memref<100352xf32, #tpu.memory_space<vmem_shared>>) target(%arg18 : memref<2048xf32, #tpu.memory_space<vmem>>) offsets(%arg14 : memref<2048xi32, #tpu.memory_space<vmem>>) semaphore(%arg52 : memref<!tpu.dma_semaphore, #tpu.memory_space<semaphore_mem>>)
      %dma_start3A_48 = arith.constant 0 : i32
      %dma_start3A_49 = tpu.memref_slice %arg43[%dma_start3A_48] : memref<100352xf32, #tpu.memory_space<vmem_shared>> -> memref<100352xf32, #tpu.memory_space<vmem_shared>>
      tpu.enqueue_indirect_dma source(%dma_start3A_49 : memref<100352xf32, #tpu.memory_space<vmem_shared>>) target(%arg19 : memref<2048xf32, #tpu.memory_space<vmem>>) offsets(%arg14 : memref<2048xi32, #tpu.memory_space<vmem>>) semaphore(%arg52 : memref<!tpu.dma_semaphore, #tpu.memory_space<semaphore_mem>>)
      %dma_start3A_50 = arith.constant 0 : i32
      %dma_start3A_51 = tpu.memref_slice %arg44[%dma_start3A_50] : memref<100352xf32, #tpu.memory_space<vmem_shared>> -> memref<100352xf32, #tpu.memory_space<vmem_shared>>
      tpu.enqueue_indirect_dma source(%dma_start3A_51 : memref<100352xf32, #tpu.memory_space<vmem_shared>>) target(%arg20 : memref<2048xf32, #tpu.memory_space<vmem>>) offsets(%arg14 : memref<2048xi32, #tpu.memory_space<vmem>>) semaphore(%arg52 : memref<!tpu.dma_semaphore, #tpu.memory_space<semaphore_mem>>)
      %dma_start3A_52 = arith.constant 0 : i32
      %dma_start3A_53 = tpu.memref_slice %arg45[%dma_start3A_52] : memref<100352xf32, #tpu.memory_space<vmem_shared>> -> memref<100352xf32, #tpu.memory_space<vmem_shared>>
      tpu.enqueue_indirect_dma source(%dma_start3A_53 : memref<100352xf32, #tpu.memory_space<vmem_shared>>) target(%arg21 : memref<2048xf32, #tpu.memory_space<vmem>>) offsets(%arg14 : memref<2048xi32, #tpu.memory_space<vmem>>) semaphore(%arg52 : memref<!tpu.dma_semaphore, #tpu.memory_space<semaphore_mem>>)
      %dma_start3A_54 = arith.constant 0 : i32
      %dma_start3A_55 = tpu.memref_slice %arg46[%dma_start3A_54] : memref<100352xf32, #tpu.memory_space<vmem_shared>> -> memref<100352xf32, #tpu.memory_space<vmem_shared>>
      tpu.enqueue_indirect_dma source(%dma_start3A_55 : memref<100352xf32, #tpu.memory_space<vmem_shared>>) target(%arg22 : memref<2048xf32, #tpu.memory_space<vmem>>) offsets(%arg14 : memref<2048xi32, #tpu.memory_space<vmem>>) semaphore(%arg52 : memref<!tpu.dma_semaphore, #tpu.memory_space<semaphore_mem>>)
      %dma_start3A_56 = arith.constant 0 : i32
      %dma_start3A_57 = tpu.memref_slice %arg47[%dma_start3A_56] : memref<100352xf32, #tpu.memory_space<vmem_shared>> -> memref<100352xf32, #tpu.memory_space<vmem_shared>>
      tpu.enqueue_indirect_dma source(%dma_start3A_57 : memref<100352xf32, #tpu.memory_space<vmem_shared>>) target(%arg23 : memref<2048xf32, #tpu.memory_space<vmem>>) offsets(%arg14 : memref<2048xi32, #tpu.memory_space<vmem>>) semaphore(%arg52 : memref<!tpu.dma_semaphore, #tpu.memory_space<semaphore_mem>>)
      %dma_start3A_58 = arith.constant 0 : i32
      %dma_start3A_59 = tpu.memref_slice %arg40[%dma_start3A_58] : memref<100352xf32, #tpu.memory_space<vmem_shared>> -> memref<100352xf32, #tpu.memory_space<vmem_shared>>
      tpu.enqueue_indirect_dma source(%dma_start3A_59 : memref<100352xf32, #tpu.memory_space<vmem_shared>>) target(%arg24 : memref<2048xf32, #tpu.memory_space<vmem>>) offsets(%arg15 : memref<2048xi32, #tpu.memory_space<vmem>>) semaphore(%arg52 : memref<!tpu.dma_semaphore, #tpu.memory_space<semaphore_mem>>)
      %dma_start3A_60 = arith.constant 0 : i32
      %dma_start3A_61 = tpu.memref_slice %arg41[%dma_start3A_60] : memref<100352xf32, #tpu.memory_space<vmem_shared>> -> memref<100352xf32, #tpu.memory_space<vmem_shared>>
      tpu.enqueue_indirect_dma source(%dma_start3A_61 : memref<100352xf32, #tpu.memory_space<vmem_shared>>) target(%arg25 : memref<2048xf32, #tpu.memory_space<vmem>>) offsets(%arg15 : memref<2048xi32, #tpu.memory_space<vmem>>) semaphore(%arg52 : memref<!tpu.dma_semaphore, #tpu.memory_space<semaphore_mem>>)
      %dma_start3A_62 = arith.constant 0 : i32
      %dma_start3A_63 = tpu.memref_slice %arg42[%dma_start3A_62] : memref<100352xf32, #tpu.memory_space<vmem_shared>> -> memref<100352xf32, #tpu.memory_space<vmem_shared>>
      tpu.enqueue_indirect_dma source(%dma_start3A_63 : memref<100352xf32, #tpu.memory_space<vmem_shared>>) target(%arg26 : memref<2048xf32, #tpu.memory_space<vmem>>) offsets(%arg15 : memref<2048xi32, #tpu.memory_space<vmem>>) semaphore(%arg52 : memref<!tpu.dma_semaphore, #tpu.memory_space<semaphore_mem>>)
      %dma_start3A_64 = arith.constant 0 : i32
      %dma_start3A_65 = tpu.memref_slice %arg43[%dma_start3A_64] : memref<100352xf32, #tpu.memory_space<vmem_shared>> -> memref<100352xf32, #tpu.memory_space<vmem_shared>>
      tpu.enqueue_indirect_dma source(%dma_start3A_65 : memref<100352xf32, #tpu.memory_space<vmem_shared>>) target(%arg27 : memref<2048xf32, #tpu.memory_space<vmem>>) offsets(%arg15 : memref<2048xi32, #tpu.memory_space<vmem>>) semaphore(%arg52 : memref<!tpu.dma_semaphore, #tpu.memory_space<semaphore_mem>>)
      %dma_start3A_66 = arith.constant 0 : i32
      %dma_start3A_67 = tpu.memref_slice %arg44[%dma_start3A_66] : memref<100352xf32, #tpu.memory_space<vmem_shared>> -> memref<100352xf32, #tpu.memory_space<vmem_shared>>
      tpu.enqueue_indirect_dma source(%dma_start3A_67 : memref<100352xf32, #tpu.memory_space<vmem_shared>>) target(%arg28 : memref<2048xf32, #tpu.memory_space<vmem>>) offsets(%arg15 : memref<2048xi32, #tpu.memory_space<vmem>>) semaphore(%arg52 : memref<!tpu.dma_semaphore, #tpu.memory_space<semaphore_mem>>)
      %dma_start3A_68 = arith.constant 0 : i32
      %dma_start3A_69 = tpu.memref_slice %arg45[%dma_start3A_68] : memref<100352xf32, #tpu.memory_space<vmem_shared>> -> memref<100352xf32, #tpu.memory_space<vmem_shared>>
      tpu.enqueue_indirect_dma source(%dma_start3A_69 : memref<100352xf32, #tpu.memory_space<vmem_shared>>) target(%arg29 : memref<2048xf32, #tpu.memory_space<vmem>>) offsets(%arg15 : memref<2048xi32, #tpu.memory_space<vmem>>) semaphore(%arg52 : memref<!tpu.dma_semaphore, #tpu.memory_space<semaphore_mem>>)
      %dma_start3A_70 = arith.constant 0 : i32
      %dma_start3A_71 = tpu.memref_slice %arg46[%dma_start3A_70] : memref<100352xf32, #tpu.memory_space<vmem_shared>> -> memref<100352xf32, #tpu.memory_space<vmem_shared>>
      tpu.enqueue_indirect_dma source(%dma_start3A_71 : memref<100352xf32, #tpu.memory_space<vmem_shared>>) target(%arg30 : memref<2048xf32, #tpu.memory_space<vmem>>) offsets(%arg15 : memref<2048xi32, #tpu.memory_space<vmem>>) semaphore(%arg52 : memref<!tpu.dma_semaphore, #tpu.memory_space<semaphore_mem>>)
      %dma_start3A_72 = arith.constant 0 : i32
      %dma_start3A_73 = tpu.memref_slice %arg47[%dma_start3A_72] : memref<100352xf32, #tpu.memory_space<vmem_shared>> -> memref<100352xf32, #tpu.memory_space<vmem_shared>>
      tpu.enqueue_indirect_dma source(%dma_start3A_73 : memref<100352xf32, #tpu.memory_space<vmem_shared>>) target(%arg31 : memref<2048xf32, #tpu.memory_space<vmem>>) offsets(%arg15 : memref<2048xi32, #tpu.memory_space<vmem>>) semaphore(%arg52 : memref<!tpu.dma_semaphore, #tpu.memory_space<semaphore_mem>>)
      %dma_wait3A = arith.constant 0 : i32
      %dma_wait3A_74 = tpu.memref_slice %arg40[%dma_wait3A] : memref<100352xf32, #tpu.memory_space<vmem_shared>> -> memref<100352xf32, #tpu.memory_space<vmem_shared>>
      tpu.wait_indirect_dma semaphore(%arg52 : memref<!tpu.dma_semaphore, #tpu.memory_space<semaphore_mem>>) src(%dma_wait3A_74 : memref<100352xf32, #tpu.memory_space<vmem_shared>>) dst(%arg16 : memref<2048xf32, #tpu.memory_space<vmem>>)
      %dma_wait3A_75 = arith.constant 0 : i32
      %dma_wait3A_76 = tpu.memref_slice %arg41[%dma_wait3A_75] : memref<100352xf32, #tpu.memory_space<vmem_shared>> -> memref<100352xf32, #tpu.memory_space<vmem_shared>>
      tpu.wait_indirect_dma semaphore(%arg52 : memref<!tpu.dma_semaphore, #tpu.memory_space<semaphore_mem>>) src(%dma_wait3A_76 : memref<100352xf32, #tpu.memory_space<vmem_shared>>) dst(%arg17 : memref<2048xf32, #tpu.memory_space<vmem>>)
      %dma_wait3A_77 = arith.constant 0 : i32
      %dma_wait3A_78 = tpu.memref_slice %arg42[%dma_wait3A_77] : memref<100352xf32, #tpu.memory_space<vmem_shared>> -> memref<100352xf32, #tpu.memory_space<vmem_shared>>
      tpu.wait_indirect_dma semaphore(%arg52 : memref<!tpu.dma_semaphore, #tpu.memory_space<semaphore_mem>>) src(%dma_wait3A_78 : memref<100352xf32, #tpu.memory_space<vmem_shared>>) dst(%arg18 : memref<2048xf32, #tpu.memory_space<vmem>>)
      %dma_wait3A_79 = arith.constant 0 : i32
      %dma_wait3A_80 = tpu.memref_slice %arg43[%dma_wait3A_79] : memref<100352xf32, #tpu.memory_space<vmem_shared>> -> memref<100352xf32, #tpu.memory_space<vmem_shared>>
      tpu.wait_indirect_dma semaphore(%arg52 : memref<!tpu.dma_semaphore, #tpu.memory_space<semaphore_mem>>) src(%dma_wait3A_80 : memref<100352xf32, #tpu.memory_space<vmem_shared>>) dst(%arg19 : memref<2048xf32, #tpu.memory_space<vmem>>)
      %dma_wait3A_81 = arith.constant 0 : i32
      %dma_wait3A_82 = tpu.memref_slice %arg44[%dma_wait3A_81] : memref<100352xf32, #tpu.memory_space<vmem_shared>> -> memref<100352xf32, #tpu.memory_space<vmem_shared>>
      tpu.wait_indirect_dma semaphore(%arg52 : memref<!tpu.dma_semaphore, #tpu.memory_space<semaphore_mem>>) src(%dma_wait3A_82 : memref<100352xf32, #tpu.memory_space<vmem_shared>>) dst(%arg20 : memref<2048xf32, #tpu.memory_space<vmem>>)
      %dma_wait3A_83 = arith.constant 0 : i32
      %dma_wait3A_84 = tpu.memref_slice %arg45[%dma_wait3A_83] : memref<100352xf32, #tpu.memory_space<vmem_shared>> -> memref<100352xf32, #tpu.memory_space<vmem_shared>>
      tpu.wait_indirect_dma semaphore(%arg52 : memref<!tpu.dma_semaphore, #tpu.memory_space<semaphore_mem>>) src(%dma_wait3A_84 : memref<100352xf32, #tpu.memory_space<vmem_shared>>) dst(%arg21 : memref<2048xf32, #tpu.memory_space<vmem>>)
      %dma_wait3A_85 = arith.constant 0 : i32
      %dma_wait3A_86 = tpu.memref_slice %arg46[%dma_wait3A_85] : memref<100352xf32, #tpu.memory_space<vmem_shared>> -> memref<100352xf32, #tpu.memory_space<vmem_shared>>
      tpu.wait_indirect_dma semaphore(%arg52 : memref<!tpu.dma_semaphore, #tpu.memory_space<semaphore_mem>>) src(%dma_wait3A_86 : memref<100352xf32, #tpu.memory_space<vmem_shared>>) dst(%arg22 : memref<2048xf32, #tpu.memory_space<vmem>>)
      %dma_wait3A_87 = arith.constant 0 : i32
      %dma_wait3A_88 = tpu.memref_slice %arg47[%dma_wait3A_87] : memref<100352xf32, #tpu.memory_space<vmem_shared>> -> memref<100352xf32, #tpu.memory_space<vmem_shared>>
      tpu.wait_indirect_dma semaphore(%arg52 : memref<!tpu.dma_semaphore, #tpu.memory_space<semaphore_mem>>) src(%dma_wait3A_88 : memref<100352xf32, #tpu.memory_space<vmem_shared>>) dst(%arg23 : memref<2048xf32, #tpu.memory_space<vmem>>)
      %dma_wait3A_89 = arith.constant 0 : i32
      %dma_wait3A_90 = tpu.memref_slice %arg40[%dma_wait3A_89] : memref<100352xf32, #tpu.memory_space<vmem_shared>> -> memref<100352xf32, #tpu.memory_space<vmem_shared>>
      tpu.wait_indirect_dma semaphore(%arg52 : memref<!tpu.dma_semaphore, #tpu.memory_space<semaphore_mem>>) src(%dma_wait3A_90 : memref<100352xf32, #tpu.memory_space<vmem_shared>>) dst(%arg24 : memref<2048xf32, #tpu.memory_space<vmem>>)
      %dma_wait3A_91 = arith.constant 0 : i32
      %dma_wait3A_92 = tpu.memref_slice %arg41[%dma_wait3A_91] : memref<100352xf32, #tpu.memory_space<vmem_shared>> -> memref<100352xf32, #tpu.memory_space<vmem_shared>>
      tpu.wait_indirect_dma semaphore(%arg52 : memref<!tpu.dma_semaphore, #tpu.memory_space<semaphore_mem>>) src(%dma_wait3A_92 : memref<100352xf32, #tpu.memory_space<vmem_shared>>) dst(%arg25 : memref<2048xf32, #tpu.memory_space<vmem>>)
      %dma_wait3A_93 = arith.constant 0 : i32
      %dma_wait3A_94 = tpu.memref_slice %arg42[%dma_wait3A_93] : memref<100352xf32, #tpu.memory_space<vmem_shared>> -> memref<100352xf32, #tpu.memory_space<vmem_shared>>
      tpu.wait_indirect_dma semaphore(%arg52 : memref<!tpu.dma_semaphore, #tpu.memory_space<semaphore_mem>>) src(%dma_wait3A_94 : memref<100352xf32, #tpu.memory_space<vmem_shared>>) dst(%arg26 : memref<2048xf32, #tpu.memory_space<vmem>>)
      %dma_wait3A_95 = arith.constant 0 : i32
      %dma_wait3A_96 = tpu.memref_slice %arg43[%dma_wait3A_95] : memref<100352xf32, #tpu.memory_space<vmem_shared>> -> memref<100352xf32, #tpu.memory_space<vmem_shared>>
      tpu.wait_indirect_dma semaphore(%arg52 : memref<!tpu.dma_semaphore, #tpu.memory_space<semaphore_mem>>) src(%dma_wait3A_96 : memref<100352xf32, #tpu.memory_space<vmem_shared>>) dst(%arg27 : memref<2048xf32, #tpu.memory_space<vmem>>)
      %dma_wait3A_97 = arith.constant 0 : i32
      %dma_wait3A_98 = tpu.memref_slice %arg44[%dma_wait3A_97] : memref<100352xf32, #tpu.memory_space<vmem_shared>> -> memref<100352xf32, #tpu.memory_space<vmem_shared>>
      tpu.wait_indirect_dma semaphore(%arg52 : memref<!tpu.dma_semaphore, #tpu.memory_space<semaphore_mem>>) src(%dma_wait3A_98 : memref<100352xf32, #tpu.memory_space<vmem_shared>>) dst(%arg28 : memref<2048xf32, #tpu.memory_space<vmem>>)
      %dma_wait3A_99 = arith.constant 0 : i32
      %dma_wait3A_100 = tpu.memref_slice %arg45[%dma_wait3A_99] : memref<100352xf32, #tpu.memory_space<vmem_shared>> -> memref<100352xf32, #tpu.memory_space<vmem_shared>>
      tpu.wait_indirect_dma semaphore(%arg52 : memref<!tpu.dma_semaphore, #tpu.memory_space<semaphore_mem>>) src(%dma_wait3A_100 : memref<100352xf32, #tpu.memory_space<vmem_shared>>) dst(%arg29 : memref<2048xf32, #tpu.memory_space<vmem>>)
      %dma_wait3A_101 = arith.constant 0 : i32
      %dma_wait3A_102 = tpu.memref_slice %arg46[%dma_wait3A_101] : memref<100352xf32, #tpu.memory_space<vmem_shared>> -> memref<100352xf32, #tpu.memory_space<vmem_shared>>
      tpu.wait_indirect_dma semaphore(%arg52 : memref<!tpu.dma_semaphore, #tpu.memory_space<semaphore_mem>>) src(%dma_wait3A_102 : memref<100352xf32, #tpu.memory_space<vmem_shared>>) dst(%arg30 : memref<2048xf32, #tpu.memory_space<vmem>>)
      %dma_wait3A_103 = arith.constant 0 : i32
      %dma_wait3A_104 = tpu.memref_slice %arg47[%dma_wait3A_103] : memref<100352xf32, #tpu.memory_space<vmem_shared>> -> memref<100352xf32, #tpu.memory_space<vmem_shared>>
      tpu.wait_indirect_dma semaphore(%arg52 : memref<!tpu.dma_semaphore, #tpu.memory_space<semaphore_mem>>) src(%dma_wait3A_104 : memref<100352xf32, #tpu.memory_space<vmem_shared>>) dst(%arg31 : memref<2048xf32, #tpu.memory_space<vmem>>)
      %scan3A_105 = arith.constant 0 : i32
      %scan3A_106 = arith.constant 0 : i32
      %scan3A_107 = arith.constant 128 : i32
      %scan3A_108 = arith.addi %scan3A_106, %scan3A_107 : i32
      %scan3A_109 = arith.constant 1 : i32
      scf.for %scan3A_111 = %scan3A_106 to %scan3A_108 step %scan3A_109  : i32 {
        %mul3A_112 = arith.constant 16 : i32
        %mul3A_113 = arith.muli %scan3A_111, %mul3A_112 : i32
        %get3A = arith.index_cast %mul3A_113 : i32 to index
        %get3A_114 = tpu.vector_load %arg16[%get3A] {strides = array<i32>} : memref<2048xf32, #tpu.memory_space<vmem>>, vector<16xf32>,
        %get3A_115 = vector.shape_cast %get3A_114 : vector<16xf32> to vector<16xf32>
        %get3A_116 = arith.index_cast %mul3A_113 : i32 to index
        %get3A_117 = tpu.vector_load %arg17[%get3A_116] {strides = array<i32>} : memref<2048xf32, #tpu.memory_space<vmem>>, vector<16xf32>,
        %get3A_118 = vector.shape_cast %get3A_117 : vector<16xf32> to vector<16xf32>
        %get3A_119 = arith.index_cast %mul3A_113 : i32 to index
        %get3A_120 = tpu.vector_load %arg18[%get3A_119] {strides = array<i32>} : memref<2048xf32, #tpu.memory_space<vmem>>, vector<16xf32>,
        %get3A_121 = vector.shape_cast %get3A_120 : vector<16xf32> to vector<16xf32>
        %get3A_122 = arith.index_cast %mul3A_113 : i32 to index
        %get3A_123 = tpu.vector_load %arg19[%get3A_122] {strides = array<i32>} : memref<2048xf32, #tpu.memory_space<vmem>>, vector<16xf32>,
        %get3A_124 = vector.shape_cast %get3A_123 : vector<16xf32> to vector<16xf32>
        %get3A_125 = arith.index_cast %mul3A_113 : i32 to index
        %get3A_126 = tpu.vector_load %arg20[%get3A_125] {strides = array<i32>} : memref<2048xf32, #tpu.memory_space<vmem>>, vector<16xf32>,
        %get3A_127 = vector.shape_cast %get3A_126 : vector<16xf32> to vector<16xf32>
        %get3A_128 = arith.index_cast %mul3A_113 : i32 to index
        %get3A_129 = tpu.vector_load %arg21[%get3A_128] {strides = array<i32>} : memref<2048xf32, #tpu.memory_space<vmem>>, vector<16xf32>,
        %get3A_130 = vector.shape_cast %get3A_129 : vector<16xf32> to vector<16xf32>
        %get3A_131 = arith.index_cast %mul3A_113 : i32 to index
        %get3A_132 = tpu.vector_load %arg22[%get3A_131] {strides = array<i32>} : memref<2048xf32, #tpu.memory_space<vmem>>, vector<16xf32>,
        %get3A_133 = vector.shape_cast %get3A_132 : vector<16xf32> to vector<16xf32>
        %get3A_134 = arith.index_cast %mul3A_113 : i32 to index
        %get3A_135 = tpu.vector_load %arg23[%get3A_134] {strides = array<i32>} : memref<2048xf32, #tpu.memory_space<vmem>>, vector<16xf32>,
        %get3A_136 = vector.shape_cast %get3A_135 : vector<16xf32> to vector<16xf32>
        %get3A_137 = arith.index_cast %mul3A_113 : i32 to index
        %get3A_138 = tpu.vector_load %arg24[%get3A_137] {strides = array<i32>} : memref<2048xf32, #tpu.memory_space<vmem>>, vector<16xf32>,
        %get3A_139 = vector.shape_cast %get3A_138 : vector<16xf32> to vector<16xf32>
        %get3A_140 = arith.index_cast %mul3A_113 : i32 to index
        %get3A_141 = tpu.vector_load %arg25[%get3A_140] {strides = array<i32>} : memref<2048xf32, #tpu.memory_space<vmem>>, vector<16xf32>,
        %get3A_142 = vector.shape_cast %get3A_141 : vector<16xf32> to vector<16xf32>
        %get3A_143 = arith.index_cast %mul3A_113 : i32 to index
        %get3A_144 = tpu.vector_load %arg26[%get3A_143] {strides = array<i32>} : memref<2048xf32, #tpu.memory_space<vmem>>, vector<16xf32>,
        %get3A_145 = vector.shape_cast %get3A_144 : vector<16xf32> to vector<16xf32>
        %get3A_146 = arith.index_cast %mul3A_113 : i32 to index
        %get3A_147 = tpu.vector_load %arg27[%get3A_146] {strides = array<i32>} : memref<2048xf32, #tpu.memory_space<vmem>>, vector<16xf32>,
        %get3A_148 = vector.shape_cast %get3A_147 : vector<16xf32> to vector<16xf32>
        %get3A_149 = arith.index_cast %mul3A_113 : i32 to index
        %get3A_150 = tpu.vector_load %arg28[%get3A_149] {strides = array<i32>} : memref<2048xf32, #tpu.memory_space<vmem>>, vector<16xf32>,
        %get3A_151 = vector.shape_cast %get3A_150 : vector<16xf32> to vector<16xf32>
        %get3A_152 = arith.index_cast %mul3A_113 : i32 to index
        %get3A_153 = tpu.vector_load %arg29[%get3A_152] {strides = array<i32>} : memref<2048xf32, #tpu.memory_space<vmem>>, vector<16xf32>,
        %get3A_154 = vector.shape_cast %get3A_153 : vector<16xf32> to vector<16xf32>
        %get3A_155 = arith.index_cast %mul3A_113 : i32 to index
        %get3A_156 = tpu.vector_load %arg30[%get3A_155] {strides = array<i32>} : memref<2048xf32, #tpu.memory_space<vmem>>, vector<16xf32>,
        %get3A_157 = vector.shape_cast %get3A_156 : vector<16xf32> to vector<16xf32>
        %get3A_158 = arith.index_cast %mul3A_113 : i32 to index
        %get3A_159 = tpu.vector_load %arg31[%get3A_158] {strides = array<i32>} : memref<2048xf32, #tpu.memory_space<vmem>>, vector<16xf32>,
        %get3A_160 = vector.shape_cast %get3A_159 : vector<16xf32> to vector<16xf32>
        %sub3A = arith.subf %get3A_139, %get3A_115 : vector<16xf32>
        %sub3A_161 = arith.subf %get3A_142, %get3A_118 : vector<16xf32>
        %sub3A_162 = arith.subf %get3A_145, %get3A_121 : vector<16xf32>
        %mul3A_163 = arith.mulf %sub3A, %sub3A : vector<16xf32>
        %mul3A_164 = arith.mulf %sub3A_161, %sub3A_161 : vector<16xf32>
        %add3A_165 = arith.addf %mul3A_163, %mul3A_164 : vector<16xf32>
        %mul3A_166 = arith.mulf %sub3A_162, %sub3A_162 : vector<16xf32>
        %add3A_167 = arith.addf %add3A_165, %mul3A_166 : vector<16xf32>
        %ge3A = arith.constant 2.560000e+02 : f32
        %ge3A_168 = vector.broadcast %ge3A : f32 to vector<16xf32>
        %ge3A_169 = arith.cmpf oge, %add3A_167, %ge3A_168 : vector<16xf32>
        %mul3A_170 = arith.constant 3.906250e-03 : f32
        %mul3A_171 = vector.broadcast %mul3A_170 : f32 to vector<16xf32>
        %mul3A_172 = arith.mulf %add3A_167, %mul3A_171 : vector<16xf32>
        %select_n3A = arith.select %ge3A_169, %mul3A_172, %add3A_167 : vector<16xi1>, vector<16xf32>
        %jit3A = arith.constant 1.600000e+01 : f32
        %jit3A_173 = arith.constant 1.000000e+00 : f32
        %broadcast_in_dim3A = vector.broadcast %jit3A : f32 to vector<16xf32>
        %broadcast_in_dim3A_174 = vector.broadcast %jit3A_173 : f32 to vector<16xf32>
        %select_n3A_175 = arith.select %ge3A_169, %broadcast_in_dim3A, %broadcast_in_dim3A_174 : vector<16xi1>, vector<16xf32>
        %ge3A_176 = arith.constant 1.600000e+01 : f32
        %ge3A_177 = vector.broadcast %ge3A_176 : f32 to vector<16xf32>
        %ge3A_178 = arith.cmpf oge, %select_n3A, %ge3A_177 : vector<16xf32>
        %mul3A_179 = arith.constant 6.250000e-02 : f32
        %mul3A_180 = vector.broadcast %mul3A_179 : f32 to vector<16xf32>
        %mul3A_181 = arith.mulf %select_n3A, %mul3A_180 : vector<16xf32>
        %select_n3A_182 = arith.select %ge3A_178, %mul3A_181, %select_n3A : vector<16xi1>, vector<16xf32>
        %mul3A_183 = arith.constant 4.000000e+00 : f32
        %mul3A_184 = vector.broadcast %mul3A_183 : f32 to vector<16xf32>
        %mul3A_185 = arith.mulf %select_n3A_175, %mul3A_184 : vector<16xf32>
        %select_n3A_186 = arith.select %ge3A_178, %mul3A_185, %select_n3A_175 : vector<16xi1>, vector<16xf32>
        %ge3A_187 = arith.constant 4.000000e+00 : f32
        %ge3A_188 = vector.broadcast %ge3A_187 : f32 to vector<16xf32>
        %ge3A_189 = arith.cmpf oge, %select_n3A_182, %ge3A_188 : vector<16xf32>
        %mul3A_190 = arith.constant 2.500000e-01 : f32
        %mul3A_191 = vector.broadcast %mul3A_190 : f32 to vector<16xf32>
        %mul3A_192 = arith.mulf %select_n3A_182, %mul3A_191 : vector<16xf32>
        %select_n3A_193 = arith.select %ge3A_189, %mul3A_192, %select_n3A_182 : vector<16xi1>, vector<16xf32>
        %mul3A_194 = arith.constant 2.000000e+00 : f32
        %mul3A_195 = vector.broadcast %mul3A_194 : f32 to vector<16xf32>
        %mul3A_196 = arith.mulf %select_n3A_186, %mul3A_195 : vector<16xf32>
        %select_n3A_197 = arith.select %ge3A_189, %mul3A_196, %select_n3A_186 : vector<16xi1>, vector<16xf32>
        %ge3A_198 = arith.constant 2.000000e+00 : f32
        %ge3A_199 = vector.broadcast %ge3A_198 : f32 to vector<16xf32>
        %ge3A_200 = arith.cmpf oge, %select_n3A_193, %ge3A_199 : vector<16xf32>
        %mul3A_201 = arith.constant 5.000000e-01 : f32
        %mul3A_202 = vector.broadcast %mul3A_201 : f32 to vector<16xf32>
        %mul3A_203 = arith.mulf %select_n3A_193, %mul3A_202 : vector<16xf32>
        %select_n3A_204 = arith.select %ge3A_200, %mul3A_203, %select_n3A_193 : vector<16xi1>, vector<16xf32>
        %mul3A_205 = arith.constant 1.41421354 : f32
        %mul3A_206 = vector.broadcast %mul3A_205 : f32 to vector<16xf32>
        %mul3A_207 = arith.mulf %select_n3A_197, %mul3A_206 : vector<16xf32>
        %select_n3A_208 = arith.select %ge3A_200, %mul3A_207, %select_n3A_197 : vector<16xi1>, vector<16xf32>
        %lt3A = arith.constant 3.05175781E-5 : f32
        %lt3A_209 = vector.broadcast %lt3A : f32 to vector<16xf32>
        %lt3A_210 = arith.cmpf olt, %select_n3A_204, %lt3A_209 : vector<16xf32>
        %mul3A_211 = arith.constant 6.553600e+04 : f32
        %mul3A_212 = vector.broadcast %mul3A_211 : f32 to vector<16xf32>
        %mul3A_213 = arith.mulf %select_n3A_204, %mul3A_212 : vector<16xf32>
        %select_n3A_214 = arith.select %lt3A_210, %mul3A_213, %select_n3A_204 : vector<16xi1>, vector<16xf32>
        %mul3A_215 = arith.constant 3.906250e-03 : f32
        %mul3A_216 = vector.broadcast %mul3A_215 : f32 to vector<16xf32>
        %mul3A_217 = arith.mulf %select_n3A_208, %mul3A_216 : vector<16xf32>
        %select_n3A_218 = arith.select %lt3A_210, %mul3A_217, %select_n3A_208 : vector<16xi1>, vector<16xf32>
        %lt3A_219 = arith.constant 7.812500e-03 : f32
        %lt3A_220 = vector.broadcast %lt3A_219 : f32 to vector<16xf32>
        %lt3A_221 = arith.cmpf olt, %select_n3A_214, %lt3A_220 : vector<16xf32>
        %mul3A_222 = arith.constant 2.560000e+02 : f32
        %mul3A_223 = vector.broadcast %mul3A_222 : f32 to vector<16xf32>
        %mul3A_224 = arith.mulf %select_n3A_214, %mul3A_223 : vector<16xf32>
        %select_n3A_225 = arith.select %lt3A_221, %mul3A_224, %select_n3A_214 : vector<16xi1>, vector<16xf32>
        %mul3A_226 = arith.constant 6.250000e-02 : f32
        %mul3A_227 = vector.broadcast %mul3A_226 : f32 to vector<16xf32>
        %mul3A_228 = arith.mulf %select_n3A_218, %mul3A_227 : vector<16xf32>
        %select_n3A_229 = arith.select %lt3A_221, %mul3A_228, %select_n3A_218 : vector<16xi1>, vector<16xf32>
        %lt3A_230 = arith.constant 1.250000e-01 : f32
        %lt3A_231 = vector.broadcast %lt3A_230 : f32 to vector<16xf32>
        %lt3A_232 = arith.cmpf olt, %select_n3A_225, %lt3A_231 : vector<16xf32>
        %mul3A_233 = arith.constant 1.600000e+01 : f32
        %mul3A_234 = vector.broadcast %mul3A_233 : f32 to vector<16xf32>
        %mul3A_235 = arith.mulf %select_n3A_225, %mul3A_234 : vector<16xf32>
        %select_n3A_236 = arith.select %lt3A_232, %mul3A_235, %select_n3A_225 : vector<16xi1>, vector<16xf32>
        %mul3A_237 = arith.constant 2.500000e-01 : f32
        %mul3A_238 = vector.broadcast %mul3A_237 : f32 to vector<16xf32>
        %mul3A_239 = arith.mulf %select_n3A_229, %mul3A_238 : vector<16xf32>
        %select_n3A_240 = arith.select %lt3A_232, %mul3A_239, %select_n3A_229 : vector<16xi1>, vector<16xf32>
        %lt3A_241 = arith.constant 5.000000e-01 : f32
        %lt3A_242 = vector.broadcast %lt3A_241 : f32 to vector<16xf32>
        %lt3A_243 = arith.cmpf olt, %select_n3A_236, %lt3A_242 : vector<16xf32>
        %mul3A_244 = arith.constant 4.000000e+00 : f32
        %mul3A_245 = vector.broadcast %mul3A_244 : f32 to vector<16xf32>
        %mul3A_246 = arith.mulf %select_n3A_236, %mul3A_245 : vector<16xf32>
        %select_n3A_247 = arith.select %lt3A_243, %mul3A_246, %select_n3A_236 : vector<16xi1>, vector<16xf32>
        %mul3A_248 = arith.constant 5.000000e-01 : f32
        %mul3A_249 = vector.broadcast %mul3A_248 : f32 to vector<16xf32>
        %mul3A_250 = arith.mulf %select_n3A_240, %mul3A_249 : vector<16xf32>
        %select_n3A_251 = arith.select %lt3A_243, %mul3A_250, %select_n3A_240 : vector<16xi1>, vector<16xf32>
        %lt3A_252 = arith.constant 1.000000e+00 : f32
        %lt3A_253 = vector.broadcast %lt3A_252 : f32 to vector<16xf32>
        %lt3A_254 = arith.cmpf olt, %select_n3A_247, %lt3A_253 : vector<16xf32>
        %mul3A_255 = arith.constant 2.000000e+00 : f32
        %mul3A_256 = vector.broadcast %mul3A_255 : f32 to vector<16xf32>
        %mul3A_257 = arith.mulf %select_n3A_247, %mul3A_256 : vector<16xf32>
        %select_n3A_258 = arith.select %lt3A_254, %mul3A_257, %select_n3A_247 : vector<16xi1>, vector<16xf32>
        %mul3A_259 = arith.constant 0.707106769 : f32
        %mul3A_260 = vector.broadcast %mul3A_259 : f32 to vector<16xf32>
        %mul3A_261 = arith.mulf %select_n3A_251, %mul3A_260 : vector<16xf32>
        %select_n3A_262 = arith.select %lt3A_254, %mul3A_261, %select_n3A_251 : vector<16xi1>, vector<16xf32>
        %mul3A_263 = arith.constant 2.929000e-01 : f32
        %mul3A_264 = vector.broadcast %mul3A_263 : f32 to vector<16xf32>
        %mul3A_265 = arith.mulf %mul3A_264, %select_n3A_258 : vector<16xf32>
        %sub3A_266 = arith.constant 1.270000e+00 : f32
        %sub3A_267 = vector.broadcast %sub3A_266 : f32 to vector<16xf32>
        %sub3A_268 = arith.subf %sub3A_267, %mul3A_265 : vector<16xf32>
        %mul3A_269 = arith.constant 5.000000e-01 : f32
        %mul3A_270 = vector.broadcast %mul3A_269 : f32 to vector<16xf32>
        %mul3A_271 = arith.mulf %mul3A_270, %select_n3A_258 : vector<16xf32>
        %mul3A_272 = arith.mulf %mul3A_271, %sub3A_268 : vector<16xf32>
        %mul3A_273 = arith.mulf %mul3A_272, %sub3A_268 : vector<16xf32>
        %sub3A_274 = arith.constant 1.500000e+00 : f32
        %sub3A_275 = vector.broadcast %sub3A_274 : f32 to vector<16xf32>
        %sub3A_276 = arith.subf %sub3A_275, %mul3A_273 : vector<16xf32>
        %mul3A_277 = arith.mulf %sub3A_268, %sub3A_276 : vector<16xf32>
        %mul3A_278 = arith.constant 5.000000e-01 : f32
        %mul3A_279 = vector.broadcast %mul3A_278 : f32 to vector<16xf32>
        %mul3A_280 = arith.mulf %mul3A_279, %select_n3A_258 : vector<16xf32>
        %mul3A_281 = arith.mulf %mul3A_280, %mul3A_277 : vector<16xf32>
        %mul3A_282 = arith.mulf %mul3A_281, %mul3A_277 : vector<16xf32>
        %sub3A_283 = arith.constant 1.500000e+00 : f32
        %sub3A_284 = vector.broadcast %sub3A_283 : f32 to vector<16xf32>
        %sub3A_285 = arith.subf %sub3A_284, %mul3A_282 : vector<16xf32>
        %mul3A_286 = arith.mulf %mul3A_277, %sub3A_285 : vector<16xf32>
        %mul3A_287 = arith.constant 5.000000e-01 : f32
        %mul3A_288 = vector.broadcast %mul3A_287 : f32 to vector<16xf32>
        %mul3A_289 = arith.mulf %mul3A_288, %select_n3A_258 : vector<16xf32>
        %mul3A_290 = arith.mulf %mul3A_289, %mul3A_286 : vector<16xf32>
        %mul3A_291 = arith.mulf %mul3A_290, %mul3A_286 : vector<16xf32>
        %sub3A_292 = arith.constant 1.500000e+00 : f32
        %sub3A_293 = vector.broadcast %sub3A_292 : f32 to vector<16xf32>
        %sub3A_294 = arith.subf %sub3A_293, %mul3A_291 : vector<16xf32>
        %mul3A_295 = arith.mulf %mul3A_286, %sub3A_294 : vector<16xf32>
        %mul3A_296 = arith.mulf %select_n3A_258, %mul3A_295 : vector<16xf32>
        %mul3A_297 = arith.mulf %mul3A_296, %select_n3A_262 : vector<16xf32>
        %add3A_298 = arith.constant 9.99999993E-9 : f32
        %add3A_299 = vector.broadcast %add3A_298 : f32 to vector<16xf32>
        %add3A_300 = arith.addf %mul3A_297, %add3A_299 : vector<16xf32>
        %mul3A_301 = arith.constant 2.000000e+00 : f32
        %mul3A_302 = vector.broadcast %mul3A_301 : f32 to vector<16xf32>
        %mul3A_303 = arith.mulf %mul3A_302, %get3A_124 : vector<16xf32>
        %mul3A_304 = arith.mulf %mul3A_303, %get3A_148 : vector<16xf32>
        %add3A_305 = arith.addf %get3A_124, %get3A_148 : vector<16xf32>
        %add3A_306 = arith.constant 9.99999993E-9 : f32
        %add3A_307 = vector.broadcast %add3A_306 : f32 to vector<16xf32>
        %add3A_308 = arith.addf %add3A_305, %add3A_307 : vector<16xf32>
        %div3A = arith.divf %mul3A_304, %add3A_308 : vector<16xf32>
        %add3A_309 = arith.addf %get3A_127, %get3A_151 : vector<16xf32>
        %mul3A_310 = arith.mulf %add3A_309, %sub3A : vector<16xf32>
        %add3A_311 = arith.addf %get3A_130, %get3A_154 : vector<16xf32>
        %mul3A_312 = arith.mulf %add3A_311, %sub3A_161 : vector<16xf32>
        %add3A_313 = arith.addf %mul3A_310, %mul3A_312 : vector<16xf32>
        %add3A_314 = arith.addf %get3A_133, %get3A_157 : vector<16xf32>
        %mul3A_315 = arith.mulf %add3A_314, %sub3A_162 : vector<16xf32>
        %add3A_316 = arith.addf %add3A_313, %mul3A_315 : vector<16xf32>
        %mul3A_317 = arith.constant 5.000000e-01 : f32
        %mul3A_318 = vector.broadcast %mul3A_317 : f32 to vector<16xf32>
        %mul3A_319 = arith.mulf %mul3A_318, %add3A_316 : vector<16xf32>
        %mul3A_320 = arith.mulf %div3A, %mul3A_319 : vector<16xf32>
        %mul3A_321 = arith.mulf %mul3A_320, %add3A_300 : vector<16xf32>
        %add3A_322 = arith.addf %get3A_136, %get3A_160 : vector<16xf32>
        %mul3A_323 = arith.constant 5.000000e-01 : f32
        %mul3A_324 = vector.broadcast %mul3A_323 : f32 to vector<16xf32>
        %mul3A_325 = arith.mulf %mul3A_324, %add3A_322 : vector<16xf32>
        %mul3A_326 = arith.mulf %mul3A_325, %add3A_300 : vector<16xf32>
        %mul3A_327 = arith.mulf %mul3A_326, %sub3A : vector<16xf32>
        %mul3A_328 = arith.mulf %mul3A_326, %sub3A_161 : vector<16xf32>
        %mul3A_329 = arith.mulf %mul3A_326, %sub3A_162 : vector<16xf32>
        %swap3A = arith.index_cast %mul3A_113 : i32 to index
        %swap3A_330 = tpu.vector_load %arg32[%swap3A] {strides = array<i32>} : memref<2048xf32, #tpu.memory_space<vmem>>, vector<16xf32>,
        %swap3A_331 = vector.shape_cast %swap3A_330 : vector<16xf32> to vector<16xf32>
        %swap3A_332 = vector.shape_cast %mul3A_321 : vector<16xf32> to vector<16xf32>
        tpu.vector_store %arg32[%swap3A], %swap3A_332 {strides = array<i32>} : memref<2048xf32, #tpu.memory_space<vmem>>, vector<16xf32>,
        %swap3A_333 = arith.index_cast %mul3A_113 : i32 to index
        %swap3A_334 = tpu.vector_load %arg33[%swap3A_333] {strides = array<i32>} : memref<2048xf32, #tpu.memory_space<vmem>>, vector<16xf32>,
        %swap3A_335 = vector.shape_cast %swap3A_334 : vector<16xf32> to vector<16xf32>
        %swap3A_336 = vector.shape_cast %mul3A_327 : vector<16xf32> to vector<16xf32>
        tpu.vector_store %arg33[%swap3A_333], %swap3A_336 {strides = array<i32>} : memref<2048xf32, #tpu.memory_space<vmem>>, vector<16xf32>,
        %swap3A_337 = arith.index_cast %mul3A_113 : i32 to index
        %swap3A_338 = tpu.vector_load %arg34[%swap3A_337] {strides = array<i32>} : memref<2048xf32, #tpu.memory_space<vmem>>, vector<16xf32>,
        %swap3A_339 = vector.shape_cast %swap3A_338 : vector<16xf32> to vector<16xf32>
        %swap3A_340 = vector.shape_cast %mul3A_328 : vector<16xf32> to vector<16xf32>
        tpu.vector_store %arg34[%swap3A_337], %swap3A_340 {strides = array<i32>} : memref<2048xf32, #tpu.memory_space<vmem>>, vector<16xf32>,
        %swap3A_341 = arith.index_cast %mul3A_113 : i32 to index
        %swap3A_342 = tpu.vector_load %arg35[%swap3A_341] {strides = array<i32>} : memref<2048xf32, #tpu.memory_space<vmem>>, vector<16xf32>,
        %swap3A_343 = vector.shape_cast %swap3A_342 : vector<16xf32> to vector<16xf32>
        %swap3A_344 = vector.shape_cast %mul3A_329 : vector<16xf32> to vector<16xf32>
        tpu.vector_store %arg35[%swap3A_341], %swap3A_344 {strides = array<i32>} : memref<2048xf32, #tpu.memory_space<vmem>>, vector<16xf32>,
        %neg3A = arith.constant 0.000000e+00 : f32
        %neg3A_345 = vector.broadcast %neg3A : f32 to vector<16xf32>
        %neg3A_346 = arith.subf %neg3A_345, %mul3A_321 : vector<16xf32>
        %swap3A_347 = arith.index_cast %mul3A_113 : i32 to index
        %swap3A_348 = tpu.vector_load %arg36[%swap3A_347] {strides = array<i32>} : memref<2048xf32, #tpu.memory_space<vmem>>, vector<16xf32>,
        %swap3A_349 = vector.shape_cast %swap3A_348 : vector<16xf32> to vector<16xf32>
        %swap3A_350 = vector.shape_cast %neg3A_346 : vector<16xf32> to vector<16xf32>
        tpu.vector_store %arg36[%swap3A_347], %swap3A_350 {strides = array<i32>} : memref<2048xf32, #tpu.memory_space<vmem>>, vector<16xf32>,
        %neg3A_351 = arith.constant 0.000000e+00 : f32
        %neg3A_352 = vector.broadcast %neg3A_351 : f32 to vector<16xf32>
        %neg3A_353 = arith.subf %neg3A_352, %mul3A_327 : vector<16xf32>
        %swap3A_354 = arith.index_cast %mul3A_113 : i32 to index
        %swap3A_355 = tpu.vector_load %arg37[%swap3A_354] {strides = array<i32>} : memref<2048xf32, #tpu.memory_space<vmem>>, vector<16xf32>,
        %swap3A_356 = vector.shape_cast %swap3A_355 : vector<16xf32> to vector<16xf32>
        %swap3A_357 = vector.shape_cast %neg3A_353 : vector<16xf32> to vector<16xf32>
        tpu.vector_store %arg37[%swap3A_354], %swap3A_357 {strides = array<i32>} : memref<2048xf32, #tpu.memory_space<vmem>>, vector<16xf32>,
        %neg3A_358 = arith.constant 0.000000e+00 : f32
        %neg3A_359 = vector.broadcast %neg3A_358 : f32 to vector<16xf32>
        %neg3A_360 = arith.subf %neg3A_359, %mul3A_328 : vector<16xf32>
        %swap3A_361 = arith.index_cast %mul3A_113 : i32 to index
        %swap3A_362 = tpu.vector_load %arg38[%swap3A_361] {strides = array<i32>} : memref<2048xf32, #tpu.memory_space<vmem>>, vector<16xf32>,
        %swap3A_363 = vector.shape_cast %swap3A_362 : vector<16xf32> to vector<16xf32>
        %swap3A_364 = vector.shape_cast %neg3A_360 : vector<16xf32> to vector<16xf32>
        tpu.vector_store %arg38[%swap3A_361], %swap3A_364 {strides = array<i32>} : memref<2048xf32, #tpu.memory_space<vmem>>, vector<16xf32>,
        %neg3A_365 = arith.constant 0.000000e+00 : f32
        %neg3A_366 = vector.broadcast %neg3A_365 : f32 to vector<16xf32>
        %neg3A_367 = arith.subf %neg3A_366, %mul3A_329 : vector<16xf32>
        %swap3A_368 = arith.index_cast %mul3A_113 : i32 to index
        %swap3A_369 = tpu.vector_load %arg39[%swap3A_368] {strides = array<i32>} : memref<2048xf32, #tpu.memory_space<vmem>>, vector<16xf32>,
        %swap3A_370 = vector.shape_cast %swap3A_369 : vector<16xf32> to vector<16xf32>
        %swap3A_371 = vector.shape_cast %neg3A_367 : vector<16xf32> to vector<16xf32>
        tpu.vector_store %arg39[%swap3A_368], %swap3A_371 {strides = array<i32>} : memref<2048xf32, #tpu.memory_space<vmem>>, vector<16xf32>,
      }
      %scan3A_110 = arith.constant 128 : i32
      "tpu.region"() ({
        %run_scoped3A = tpu.sem_alloc : memref<!tpu.dma_semaphore, #tpu.memory_space<semaphore_mem>>
        %dma_start3A_111 = arith.constant 0 : i32
        %dma_start3A_112 = tpu.memref_slice %arg48[%dma_start3A_111] : memref<100352xf32, #tpu.memory_space<vmem_shared>> -> memref<100352xf32, #tpu.memory_space<vmem_shared>>
        tpu.enqueue_indirect_dma source(%arg32 : memref<2048xf32, #tpu.memory_space<vmem>>) target(%dma_start3A_112 : memref<100352xf32, #tpu.memory_space<vmem_shared>>) offsets(%arg15 : memref<2048xi32, #tpu.memory_space<vmem>>) semaphore(%run_scoped3A : memref<!tpu.dma_semaphore, #tpu.memory_space<semaphore_mem>>) {add = true}
        %dma_wait3A_113 = arith.constant 0 : i32
        %dma_wait3A_114 = tpu.memref_slice %arg48[%dma_wait3A_113] : memref<100352xf32, #tpu.memory_space<vmem_shared>> -> memref<100352xf32, #tpu.memory_space<vmem_shared>>
        tpu.wait_indirect_dma semaphore(%run_scoped3A : memref<!tpu.dma_semaphore, #tpu.memory_space<semaphore_mem>>) src(%arg32 : memref<2048xf32, #tpu.memory_space<vmem>>) dst(%dma_wait3A_114 : memref<100352xf32, #tpu.memory_space<vmem_shared>>)
        tpu.yield
      }) : () -> ()
      "tpu.region"() ({
        %run_scoped3A = tpu.sem_alloc : memref<!tpu.dma_semaphore, #tpu.memory_space<semaphore_mem>>
        %dma_start3A_111 = arith.constant 0 : i32
        %dma_start3A_112 = tpu.memref_slice %arg48[%dma_start3A_111] : memref<100352xf32, #tpu.memory_space<vmem_shared>> -> memref<100352xf32, #tpu.memory_space<vmem_shared>>
        tpu.enqueue_indirect_dma source(%arg36 : memref<2048xf32, #tpu.memory_space<vmem>>) target(%dma_start3A_112 : memref<100352xf32, #tpu.memory_space<vmem_shared>>) offsets(%arg14 : memref<2048xi32, #tpu.memory_space<vmem>>) semaphore(%run_scoped3A : memref<!tpu.dma_semaphore, #tpu.memory_space<semaphore_mem>>) {add = true}
        %dma_wait3A_113 = arith.constant 0 : i32
        %dma_wait3A_114 = tpu.memref_slice %arg48[%dma_wait3A_113] : memref<100352xf32, #tpu.memory_space<vmem_shared>> -> memref<100352xf32, #tpu.memory_space<vmem_shared>>
        tpu.wait_indirect_dma semaphore(%run_scoped3A : memref<!tpu.dma_semaphore, #tpu.memory_space<semaphore_mem>>) src(%arg36 : memref<2048xf32, #tpu.memory_space<vmem>>) dst(%dma_wait3A_114 : memref<100352xf32, #tpu.memory_space<vmem_shared>>)
        tpu.yield
      }) : () -> ()
      "tpu.region"() ({
        %run_scoped3A = tpu.sem_alloc : memref<!tpu.dma_semaphore, #tpu.memory_space<semaphore_mem>>
        %dma_start3A_111 = arith.constant 0 : i32
        %dma_start3A_112 = tpu.memref_slice %arg49[%dma_start3A_111] : memref<100352xf32, #tpu.memory_space<vmem_shared>> -> memref<100352xf32, #tpu.memory_space<vmem_shared>>
        tpu.enqueue_indirect_dma source(%arg33 : memref<2048xf32, #tpu.memory_space<vmem>>) target(%dma_start3A_112 : memref<100352xf32, #tpu.memory_space<vmem_shared>>) offsets(%arg15 : memref<2048xi32, #tpu.memory_space<vmem>>) semaphore(%run_scoped3A : memref<!tpu.dma_semaphore, #tpu.memory_space<semaphore_mem>>) {add = true}
        %dma_wait3A_113 = arith.constant 0 : i32
        %dma_wait3A_114 = tpu.memref_slice %arg49[%dma_wait3A_113] : memref<100352xf32, #tpu.memory_space<vmem_shared>> -> memref<100352xf32, #tpu.memory_space<vmem_shared>>
        tpu.wait_indirect_dma semaphore(%run_scoped3A : memref<!tpu.dma_semaphore, #tpu.memory_space<semaphore_mem>>) src(%arg33 : memref<2048xf32, #tpu.memory_space<vmem>>) dst(%dma_wait3A_114 : memref<100352xf32, #tpu.memory_space<vmem_shared>>)
        tpu.yield
      }) : () -> ()
      "tpu.region"() ({
        %run_scoped3A = tpu.sem_alloc : memref<!tpu.dma_semaphore, #tpu.memory_space<semaphore_mem>>
        %dma_start3A_111 = arith.constant 0 : i32
        %dma_start3A_112 = tpu.memref_slice %arg49[%dma_start3A_111] : memref<100352xf32, #tpu.memory_space<vmem_shared>> -> memref<100352xf32, #tpu.memory_space<vmem_shared>>
        tpu.enqueue_indirect_dma source(%arg37 : memref<2048xf32, #tpu.memory_space<vmem>>) target(%dma_start3A_112 : memref<100352xf32, #tpu.memory_space<vmem_shared>>) offsets(%arg14 : memref<2048xi32, #tpu.memory_space<vmem>>) semaphore(%run_scoped3A : memref<!tpu.dma_semaphore, #tpu.memory_space<semaphore_mem>>) {add = true}
        %dma_wait3A_113 = arith.constant 0 : i32
        %dma_wait3A_114 = tpu.memref_slice %arg49[%dma_wait3A_113] : memref<100352xf32, #tpu.memory_space<vmem_shared>> -> memref<100352xf32, #tpu.memory_space<vmem_shared>>
        tpu.wait_indirect_dma semaphore(%run_scoped3A : memref<!tpu.dma_semaphore, #tpu.memory_space<semaphore_mem>>) src(%arg37 : memref<2048xf32, #tpu.memory_space<vmem>>) dst(%dma_wait3A_114 : memref<100352xf32, #tpu.memory_space<vmem_shared>>)
        tpu.yield
      }) : () -> ()
      "tpu.region"() ({
        %run_scoped3A = tpu.sem_alloc : memref<!tpu.dma_semaphore, #tpu.memory_space<semaphore_mem>>
        %dma_start3A_111 = arith.constant 0 : i32
        %dma_start3A_112 = tpu.memref_slice %arg50[%dma_start3A_111] : memref<100352xf32, #tpu.memory_space<vmem_shared>> -> memref<100352xf32, #tpu.memory_space<vmem_shared>>
        tpu.enqueue_indirect_dma source(%arg34 : memref<2048xf32, #tpu.memory_space<vmem>>) target(%dma_start3A_112 : memref<100352xf32, #tpu.memory_space<vmem_shared>>) offsets(%arg15 : memref<2048xi32, #tpu.memory_space<vmem>>) semaphore(%run_scoped3A : memref<!tpu.dma_semaphore, #tpu.memory_space<semaphore_mem>>) {add = true}
        %dma_wait3A_113 = arith.constant 0 : i32
        %dma_wait3A_114 = tpu.memref_slice %arg50[%dma_wait3A_113] : memref<100352xf32, #tpu.memory_space<vmem_shared>> -> memref<100352xf32, #tpu.memory_space<vmem_shared>>
        tpu.wait_indirect_dma semaphore(%run_scoped3A : memref<!tpu.dma_semaphore, #tpu.memory_space<semaphore_mem>>) src(%arg34 : memref<2048xf32, #tpu.memory_space<vmem>>) dst(%dma_wait3A_114 : memref<100352xf32, #tpu.memory_space<vmem_shared>>)
        tpu.yield
      }) : () -> ()
      "tpu.region"() ({
        %run_scoped3A = tpu.sem_alloc : memref<!tpu.dma_semaphore, #tpu.memory_space<semaphore_mem>>
        %dma_start3A_111 = arith.constant 0 : i32
        %dma_start3A_112 = tpu.memref_slice %arg50[%dma_start3A_111] : memref<100352xf32, #tpu.memory_space<vmem_shared>> -> memref<100352xf32, #tpu.memory_space<vmem_shared>>
        tpu.enqueue_indirect_dma source(%arg38 : memref<2048xf32, #tpu.memory_space<vmem>>) target(%dma_start3A_112 : memref<100352xf32, #tpu.memory_space<vmem_shared>>) offsets(%arg14 : memref<2048xi32, #tpu.memory_space<vmem>>) semaphore(%run_scoped3A : memref<!tpu.dma_semaphore, #tpu.memory_space<semaphore_mem>>) {add = true}
        %dma_wait3A_113 = arith.constant 0 : i32
        %dma_wait3A_114 = tpu.memref_slice %arg50[%dma_wait3A_113] : memref<100352xf32, #tpu.memory_space<vmem_shared>> -> memref<100352xf32, #tpu.memory_space<vmem_shared>>
        tpu.wait_indirect_dma semaphore(%run_scoped3A : memref<!tpu.dma_semaphore, #tpu.memory_space<semaphore_mem>>) src(%arg38 : memref<2048xf32, #tpu.memory_space<vmem>>) dst(%dma_wait3A_114 : memref<100352xf32, #tpu.memory_space<vmem_shared>>)
        tpu.yield
      }) : () -> ()
      "tpu.region"() ({
        %run_scoped3A = tpu.sem_alloc : memref<!tpu.dma_semaphore, #tpu.memory_space<semaphore_mem>>
        %dma_start3A_111 = arith.constant 0 : i32
        %dma_start3A_112 = tpu.memref_slice %arg51[%dma_start3A_111] : memref<100352xf32, #tpu.memory_space<vmem_shared>> -> memref<100352xf32, #tpu.memory_space<vmem_shared>>
        tpu.enqueue_indirect_dma source(%arg35 : memref<2048xf32, #tpu.memory_space<vmem>>) target(%dma_start3A_112 : memref<100352xf32, #tpu.memory_space<vmem_shared>>) offsets(%arg15 : memref<2048xi32, #tpu.memory_space<vmem>>) semaphore(%run_scoped3A : memref<!tpu.dma_semaphore, #tpu.memory_space<semaphore_mem>>) {add = true}
        %dma_wait3A_113 = arith.constant 0 : i32
        %dma_wait3A_114 = tpu.memref_slice %arg51[%dma_wait3A_113] : memref<100352xf32, #tpu.memory_space<vmem_shared>> -> memref<100352xf32, #tpu.memory_space<vmem_shared>>
        tpu.wait_indirect_dma semaphore(%run_scoped3A : memref<!tpu.dma_semaphore, #tpu.memory_space<semaphore_mem>>) src(%arg35 : memref<2048xf32, #tpu.memory_space<vmem>>) dst(%dma_wait3A_114 : memref<100352xf32, #tpu.memory_space<vmem_shared>>)
        tpu.yield
      }) : () -> ()
      "tpu.region"() ({
        %run_scoped3A = tpu.sem_alloc : memref<!tpu.dma_semaphore, #tpu.memory_space<semaphore_mem>>
        %dma_start3A_111 = arith.constant 0 : i32
        %dma_start3A_112 = tpu.memref_slice %arg51[%dma_start3A_111] : memref<100352xf32, #tpu.memory_space<vmem_shared>> -> memref<100352xf32, #tpu.memory_space<vmem_shared>>
        tpu.enqueue_indirect_dma source(%arg39 : memref<2048xf32, #tpu.memory_space<vmem>>) target(%dma_start3A_112 : memref<100352xf32, #tpu.memory_space<vmem_shared>>) offsets(%arg14 : memref<2048xi32, #tpu.memory_space<vmem>>) semaphore(%run_scoped3A : memref<!tpu.dma_semaphore, #tpu.memory_space<semaphore_mem>>) {add = true}
        %dma_wait3A_113 = arith.constant 0 : i32
        %dma_wait3A_114 = tpu.memref_slice %arg51[%dma_wait3A_113] : memref<100352xf32, #tpu.memory_space<vmem_shared>> -> memref<100352xf32, #tpu.memory_space<vmem_shared>>
        tpu.wait_indirect_dma semaphore(%run_scoped3A : memref<!tpu.dma_semaphore, #tpu.memory_space<semaphore_mem>>) src(%arg39 : memref<2048xf32, #tpu.memory_space<vmem>>) dst(%dma_wait3A_114 : memref<100352xf32, #tpu.memory_space<vmem_shared>>)
        tpu.yield
      }) : () -> ()
    }
    %scan3A_9 = arith.constant 98 : i32
    %barrier3A_10 = arith.constant 0 : index
    tpu.barrier barrier_id(%barrier3A_10)
    %mul3A_11 = arith.constant 4 : i32
    %mul3A_12 = arith.muli %arg0, %mul3A_11 : i32
    %add3A_13 = arith.constant 0 : i32
    %add3A_14 = arith.addi %mul3A_12, %add3A_13 : i32
    %mul3A_15 = arith.constant 100352 : i32
    %mul3A_16 = arith.muli %add3A_14, %mul3A_15 : i32
    %add3A_17 = arith.addi %mul3A_16, %mul3A_2 : i32
    "tpu.region"() ({
      %run_scoped3A = tpu.sem_alloc : memref<!tpu.dma_semaphore, #tpu.memory_space<semaphore_mem>>
      %dma_start3A = tpu.memref_slice %arg13[%add3A_17] : memref<802816xf32, #tpu.memory_space<hbm>> -> memref<6272xf32, #tpu.memory_space<hbm>>
      %dma_start3A_39 = tpu.memref_slice %arg48[%mul3A_2] : memref<100352xf32, #tpu.memory_space<vmem_shared>> -> memref<6272xf32, #tpu.memory_space<vmem_shared>>
      tpu.enqueue_dma source(%dma_start3A_39 : memref<6272xf32, #tpu.memory_space<vmem_shared>>) target(%dma_start3A : memref<6272xf32, #tpu.memory_space<hbm>>) target_semaphore(%run_scoped3A : memref<!tpu.dma_semaphore, #tpu.memory_space<semaphore_mem>>)
      %dma_wait3A = tpu.memref_slice %arg13[%add3A_17] : memref<802816xf32, #tpu.memory_space<hbm>> -> memref<6272xf32, #tpu.memory_space<hbm>>
      %dma_wait3A_40 = tpu.memref_slice %arg48[%mul3A_2] : memref<100352xf32, #tpu.memory_space<vmem_shared>> -> memref<6272xf32, #tpu.memory_space<vmem_shared>>
      tpu.wait_dma2 semaphore(%run_scoped3A : memref<!tpu.dma_semaphore, #tpu.memory_space<semaphore_mem>>) src(%dma_wait3A_40 : memref<6272xf32, #tpu.memory_space<vmem_shared>>) dst(%dma_wait3A : memref<6272xf32, #tpu.memory_space<hbm>>)
      tpu.yield
    }) : () -> ()
    %mul3A_18 = arith.constant 4 : i32
    %mul3A_19 = arith.muli %arg0, %mul3A_18 : i32
    %add3A_20 = arith.constant 1 : i32
    %add3A_21 = arith.addi %mul3A_19, %add3A_20 : i32
    %mul3A_22 = arith.constant 100352 : i32
    %mul3A_23 = arith.muli %add3A_21, %mul3A_22 : i32
    %add3A_24 = arith.addi %mul3A_23, %mul3A_2 : i32
    "tpu.region"() ({
      %run_scoped3A = tpu.sem_alloc : memref<!tpu.dma_semaphore, #tpu.memory_space<semaphore_mem>>
      %dma_start3A = tpu.memref_slice %arg13[%add3A_24] : memref<802816xf32, #tpu.memory_space<hbm>> -> memref<6272xf32, #tpu.memory_space<hbm>>
      %dma_start3A_39 = tpu.memref_slice %arg49[%mul3A_2] : memref<100352xf32, #tpu.memory_space<vmem_shared>> -> memref<6272xf32, #tpu.memory_space<vmem_shared>>
      tpu.enqueue_dma source(%dma_start3A_39 : memref<6272xf32, #tpu.memory_space<vmem_shared>>) target(%dma_start3A : memref<6272xf32, #tpu.memory_space<hbm>>) target_semaphore(%run_scoped3A : memref<!tpu.dma_semaphore, #tpu.memory_space<semaphore_mem>>)
      %dma_wait3A = tpu.memref_slice %arg13[%add3A_24] : memref<802816xf32, #tpu.memory_space<hbm>> -> memref<6272xf32, #tpu.memory_space<hbm>>
      %dma_wait3A_40 = tpu.memref_slice %arg49[%mul3A_2] : memref<100352xf32, #tpu.memory_space<vmem_shared>> -> memref<6272xf32, #tpu.memory_space<vmem_shared>>
      tpu.wait_dma2 semaphore(%run_scoped3A : memref<!tpu.dma_semaphore, #tpu.memory_space<semaphore_mem>>) src(%dma_wait3A_40 : memref<6272xf32, #tpu.memory_space<vmem_shared>>) dst(%dma_wait3A : memref<6272xf32, #tpu.memory_space<hbm>>)
      tpu.yield
    }) : () -> ()
    %mul3A_25 = arith.constant 4 : i32
    %mul3A_26 = arith.muli %arg0, %mul3A_25 : i32
    %add3A_27 = arith.constant 2 : i32
    %add3A_28 = arith.addi %mul3A_26, %add3A_27 : i32
    %mul3A_29 = arith.constant 100352 : i32
    %mul3A_30 = arith.muli %add3A_28, %mul3A_29 : i32
    %add3A_31 = arith.addi %mul3A_30, %mul3A_2 : i32
    "tpu.region"() ({
      %run_scoped3A = tpu.sem_alloc : memref<!tpu.dma_semaphore, #tpu.memory_space<semaphore_mem>>
      %dma_start3A = tpu.memref_slice %arg13[%add3A_31] : memref<802816xf32, #tpu.memory_space<hbm>> -> memref<6272xf32, #tpu.memory_space<hbm>>
      %dma_start3A_39 = tpu.memref_slice %arg50[%mul3A_2] : memref<100352xf32, #tpu.memory_space<vmem_shared>> -> memref<6272xf32, #tpu.memory_space<vmem_shared>>
      tpu.enqueue_dma source(%dma_start3A_39 : memref<6272xf32, #tpu.memory_space<vmem_shared>>) target(%dma_start3A : memref<6272xf32, #tpu.memory_space<hbm>>) target_semaphore(%run_scoped3A : memref<!tpu.dma_semaphore, #tpu.memory_space<semaphore_mem>>)
      %dma_wait3A = tpu.memref_slice %arg13[%add3A_31] : memref<802816xf32, #tpu.memory_space<hbm>> -> memref<6272xf32, #tpu.memory_space<hbm>>
      %dma_wait3A_40 = tpu.memref_slice %arg50[%mul3A_2] : memref<100352xf32, #tpu.memory_space<vmem_shared>> -> memref<6272xf32, #tpu.memory_space<vmem_shared>>
      tpu.wait_dma2 semaphore(%run_scoped3A : memref<!tpu.dma_semaphore, #tpu.memory_space<semaphore_mem>>) src(%dma_wait3A_40 : memref<6272xf32, #tpu.memory_space<vmem_shared>>) dst(%dma_wait3A : memref<6272xf32, #tpu.memory_space<hbm>>)
      tpu.yield
    }) : () -> ()
    %mul3A_32 = arith.constant 4 : i32
    %mul3A_33 = arith.muli %arg0, %mul3A_32 : i32
    %add3A_34 = arith.constant 3 : i32
    %add3A_35 = arith.addi %mul3A_33, %add3A_34 : i32
    %mul3A_36 = arith.constant 100352 : i32
    %mul3A_37 = arith.muli %add3A_35, %mul3A_36 : i32
    %add3A_38 = arith.addi %mul3A_37, %mul3A_2 : i32
    "tpu.region"() ({
      %run_scoped3A = tpu.sem_alloc : memref<!tpu.dma_semaphore, #tpu.memory_space<semaphore_mem>>
      %dma_start3A = tpu.memref_slice %arg13[%add3A_38] : memref<802816xf32, #tpu.memory_space<hbm>> -> memref<6272xf32, #tpu.memory_space<hbm>>
      %dma_start3A_39 = tpu.memref_slice %arg51[%mul3A_2] : memref<100352xf32, #tpu.memory_space<vmem_shared>> -> memref<6272xf32, #tpu.memory_space<vmem_shared>>
      tpu.enqueue_dma source(%dma_start3A_39 : memref<6272xf32, #tpu.memory_space<vmem_shared>>) target(%dma_start3A : memref<6272xf32, #tpu.memory_space<hbm>>) target_semaphore(%run_scoped3A : memref<!tpu.dma_semaphore, #tpu.memory_space<semaphore_mem>>)
      %dma_wait3A = tpu.memref_slice %arg13[%add3A_38] : memref<802816xf32, #tpu.memory_space<hbm>> -> memref<6272xf32, #tpu.memory_space<hbm>>
      %dma_wait3A_40 = tpu.memref_slice %arg51[%mul3A_2] : memref<100352xf32, #tpu.memory_space<vmem_shared>> -> memref<6272xf32, #tpu.memory_space<vmem_shared>>
      tpu.wait_dma2 semaphore(%run_scoped3A : memref<!tpu.dma_semaphore, #tpu.memory_space<semaphore_mem>>) src(%dma_wait3A_40 : memref<6272xf32, #tpu.memory_space<vmem_shared>>) dst(%dma_wait3A : memref<6272xf32, #tpu.memory_space<hbm>>)
      tpu.yield
    }) : () -> ()
    return
  }
}

module attributes {stable_mosaic.version = 14 : i64} {
  func.func @_reduce_body(%arg0: memref<2x4x784x128xf32, #tpu.memory_space<vmem>>, %arg1: memref<784x128xf32, #tpu.memory_space<vmem>>, %arg2: memref<784x128xf32, #tpu.memory_space<vmem>>, %arg3: memref<784x128xf32, #tpu.memory_space<vmem>>, %arg4: memref<784x128xf32, #tpu.memory_space<vmem>>, %arg5: memref<3x784x128xf32, #tpu.memory_space<vmem>>, %arg6: memref<784x128xf32, #tpu.memory_space<vmem>>, %arg7: memref<784x128xf32, #tpu.memory_space<vmem>>, %arg8: memref<784x128xf32, #tpu.memory_space<vmem>>, %arg9: memref<3x784x128xf32, #tpu.memory_space<vmem>>, %arg10: memref<1x1xf32, #tpu.memory_space<vmem>>) attributes {dimension_semantics = [], scalar_prefetch = 0 : i64, scratch_operands = 0 : i64, tpu.core_type = #tpu.core_type<tc>} {
    %get3A = arith.constant 0 : index
    %get3A_0 = arith.constant 0 : index
    %get3A_1 = arith.constant 0 : index
    %get3A_2 = arith.constant 0 : index
    %get3A_3 = vector.load %arg0[%get3A, %get3A_0, %get3A_1, %get3A_2] : memref<2x4x784x128xf32, #tpu.memory_space<vmem>>, vector<2x4x784x128xf32>
    %slice3A = vector.extract_strided_slice %get3A_3 {offsets = [0, 0, 0, 0], sizes = [1, 4, 784, 128], strides = [1, 1, 1, 1]} : vector<2x4x784x128xf32> to vector<1x4x784x128xf32>
    %squeeze3A = vector.shape_cast %slice3A : vector<1x4x784x128xf32> to vector<4x784x128xf32>
    %slice3A_4 = vector.extract_strided_slice %get3A_3 {offsets = [1, 0, 0, 0], sizes = [1, 4, 784, 128], strides = [1, 1, 1, 1]} : vector<2x4x784x128xf32> to vector<1x4x784x128xf32>
    %squeeze3A_5 = vector.shape_cast %slice3A_4 : vector<1x4x784x128xf32> to vector<4x784x128xf32>
    %add3A = arith.addf %squeeze3A, %squeeze3A_5 : vector<4x784x128xf32>
    %get3A_6 = arith.constant 0 : index
    %get3A_7 = arith.constant 0 : index
    %get3A_8 = vector.load %arg1[%get3A_6, %get3A_7] : memref<784x128xf32, #tpu.memory_space<vmem>>, vector<784x128xf32>
    %add3A_9 = arith.constant 9.99999993E-9 : f32
    %add3A_10 = vector.broadcast %add3A_9 : f32 to vector<784x128xf32>
    %add3A_11 = arith.addf %get3A_8, %add3A_10 : vector<784x128xf32>
    %div3A = arith.constant 1.000000e+00 : f32
    %div3A_12 = vector.broadcast %div3A : f32 to vector<784x128xf32>
    %div3A_13 = arith.divf %div3A_12, %add3A_11 : vector<784x128xf32>
    %slice3A_14 = vector.extract_strided_slice %add3A {offsets = [0, 0, 0], sizes = [1, 784, 128], strides = [1, 1, 1]} : vector<4x784x128xf32> to vector<1x784x128xf32>
    %squeeze3A_15 = vector.shape_cast %slice3A_14 : vector<1x784x128xf32> to vector<784x128xf32>
    %mul3A = arith.mulf %squeeze3A_15, %div3A_13 : vector<784x128xf32>
    %slice3A_16 = vector.extract_strided_slice %add3A {offsets = [1, 0, 0], sizes = [3, 784, 128], strides = [1, 1, 1]} : vector<4x784x128xf32> to vector<3x784x128xf32>
    %broadcast_in_dim3A = vector.shape_cast %div3A_13 : vector<784x128xf32> to vector<1x784x128xf32>
    %mul3A_17 = vector.broadcast %broadcast_in_dim3A : vector<1x784x128xf32> to vector<3x784x128xf32>
    %mul3A_18 = arith.mulf %slice3A_16, %mul3A_17 : vector<3x784x128xf32>
    %mul3A_19 = arith.mulf %mul3A, %mul3A : vector<784x128xf32>
    %reduce_sum3A = vector.shape_cast %mul3A_19 : vector<784x128xf32> to vector<1x784x128xf32>
    %reduce_sum3A_20 = arith.constant dense<0.000000e+00> : vector<1xf32>
    %reduce_sum3A_21 = vector.multi_reduction <add>, %reduce_sum3A, %reduce_sum3A_20 [1, 2] : vector<1x784x128xf32> to vector<1xf32>
    %reduce_sum3A_22 = vector.shape_cast %reduce_sum3A_21 : vector<1xf32> to vector<1x1x1xf32>
    %reduce_sum3A_23 = vector.extract %reduce_sum3A_22[0, 0, 0] : f32 from vector<1x1x1xf32>
    %div3A_24 = arith.constant 1.000000e+05 : f32
    %div3A_25 = arith.divf %reduce_sum3A_23, %div3A_24 : f32
    %mul3A_26 = arith.mulf %mul3A_18, %mul3A_18 : vector<3x784x128xf32>
    %reduce_sum3A_27 = vector.shape_cast %mul3A_26 : vector<3x784x128xf32> to vector<1x3x784x128xf32>
    %reduce_sum3A_28 = arith.constant dense<0.000000e+00> : vector<1xf32>
    %reduce_sum3A_29 = vector.multi_reduction <add>, %reduce_sum3A_27, %reduce_sum3A_28 [1, 2, 3] : vector<1x3x784x128xf32> to vector<1xf32>
    %reduce_sum3A_30 = vector.shape_cast %reduce_sum3A_29 : vector<1xf32> to vector<1x1x1x1xf32>
    %reduce_sum3A_31 = vector.extract %reduce_sum3A_30[0, 0, 0, 0] : f32 from vector<1x1x1x1xf32>
    %div3A_32 = arith.constant 3.000000e+05 : f32
    %div3A_33 = arith.divf %reduce_sum3A_31, %div3A_32 : f32
    %get3A_34 = arith.constant 0 : index
    %get3A_35 = arith.constant 0 : index
    %get3A_36 = vector.load %arg2[%get3A_34, %get3A_35] : memref<784x128xf32, #tpu.memory_space<vmem>>, vector<784x128xf32>
    %get3A_37 = arith.constant 0 : index
    %get3A_38 = arith.constant 0 : index
    %get3A_39 = vector.load %arg6[%get3A_37, %get3A_38] : memref<784x128xf32, #tpu.memory_space<vmem>>, vector<784x128xf32>
    %sub3A = arith.subf %get3A_36, %get3A_39 : vector<784x128xf32>
    %abs3A = math.absf %get3A_39 : vector<784x128xf32>
    %add3A_40 = arith.constant 9.99999997E-7 : f32
    %add3A_41 = vector.broadcast %add3A_40 : f32 to vector<784x128xf32>
    %add3A_42 = arith.addf %abs3A, %add3A_41 : vector<784x128xf32>
    %div3A_43 = arith.divf %sub3A, %add3A_42 : vector<784x128xf32>
    %mul3A_44 = arith.mulf %div3A_43, %div3A_43 : vector<784x128xf32>
    %reduce_sum3A_45 = vector.shape_cast %mul3A_44 : vector<784x128xf32> to vector<1x784x128xf32>
    %reduce_sum3A_46 = arith.constant dense<0.000000e+00> : vector<1xf32>
    %reduce_sum3A_47 = vector.multi_reduction <add>, %reduce_sum3A_45, %reduce_sum3A_46 [1, 2] : vector<1x784x128xf32> to vector<1xf32>
    %reduce_sum3A_48 = vector.shape_cast %reduce_sum3A_47 : vector<1xf32> to vector<1x1x1xf32>
    %reduce_sum3A_49 = vector.extract %reduce_sum3A_48[0, 0, 0] : f32 from vector<1x1x1xf32>
    %div3A_50 = arith.constant 1.000000e+05 : f32
    %div3A_51 = arith.divf %reduce_sum3A_49, %div3A_50 : f32
    %get3A_52 = arith.constant 0 : index
    %get3A_53 = arith.constant 0 : index
    %get3A_54 = vector.load %arg3[%get3A_52, %get3A_53] : memref<784x128xf32, #tpu.memory_space<vmem>>, vector<784x128xf32>
    %get3A_55 = arith.constant 0 : index
    %get3A_56 = arith.constant 0 : index
    %get3A_57 = vector.load %arg7[%get3A_55, %get3A_56] : memref<784x128xf32, #tpu.memory_space<vmem>>, vector<784x128xf32>
    %sub3A_58 = arith.subf %get3A_54, %get3A_57 : vector<784x128xf32>
    %abs3A_59 = math.absf %get3A_57 : vector<784x128xf32>
    %add3A_60 = arith.constant 9.99999997E-7 : f32
    %add3A_61 = vector.broadcast %add3A_60 : f32 to vector<784x128xf32>
    %add3A_62 = arith.addf %abs3A_59, %add3A_61 : vector<784x128xf32>
    %div3A_63 = arith.divf %sub3A_58, %add3A_62 : vector<784x128xf32>
    %mul3A_64 = arith.mulf %div3A_63, %div3A_63 : vector<784x128xf32>
    %reduce_sum3A_65 = vector.shape_cast %mul3A_64 : vector<784x128xf32> to vector<1x784x128xf32>
    %reduce_sum3A_66 = arith.constant dense<0.000000e+00> : vector<1xf32>
    %reduce_sum3A_67 = vector.multi_reduction <add>, %reduce_sum3A_65, %reduce_sum3A_66 [1, 2] : vector<1x784x128xf32> to vector<1xf32>
    %reduce_sum3A_68 = vector.shape_cast %reduce_sum3A_67 : vector<1xf32> to vector<1x1x1xf32>
    %reduce_sum3A_69 = vector.extract %reduce_sum3A_68[0, 0, 0] : f32 from vector<1x1x1xf32>
    %div3A_70 = arith.constant 1.000000e+05 : f32
    %div3A_71 = arith.divf %reduce_sum3A_69, %div3A_70 : f32
    %add3A_72 = arith.addf %div3A_51, %div3A_71 : f32
    %get3A_73 = arith.constant 0 : index
    %get3A_74 = arith.constant 0 : index
    %get3A_75 = vector.load %arg4[%get3A_73, %get3A_74] : memref<784x128xf32, #tpu.memory_space<vmem>>, vector<784x128xf32>
    %get3A_76 = arith.constant 0 : index
    %get3A_77 = arith.constant 0 : index
    %get3A_78 = vector.load %arg8[%get3A_76, %get3A_77] : memref<784x128xf32, #tpu.memory_space<vmem>>, vector<784x128xf32>
    %sub3A_79 = arith.subf %get3A_75, %get3A_78 : vector<784x128xf32>
    %abs3A_80 = math.absf %get3A_78 : vector<784x128xf32>
    %add3A_81 = arith.constant 9.99999997E-7 : f32
    %add3A_82 = vector.broadcast %add3A_81 : f32 to vector<784x128xf32>
    %add3A_83 = arith.addf %abs3A_80, %add3A_82 : vector<784x128xf32>
    %div3A_84 = arith.divf %sub3A_79, %add3A_83 : vector<784x128xf32>
    %mul3A_85 = arith.mulf %div3A_84, %div3A_84 : vector<784x128xf32>
    %reduce_sum3A_86 = vector.shape_cast %mul3A_85 : vector<784x128xf32> to vector<1x784x128xf32>
    %reduce_sum3A_87 = arith.constant dense<0.000000e+00> : vector<1xf32>
    %reduce_sum3A_88 = vector.multi_reduction <add>, %reduce_sum3A_86, %reduce_sum3A_87 [1, 2] : vector<1x784x128xf32> to vector<1xf32>
    %reduce_sum3A_89 = vector.shape_cast %reduce_sum3A_88 : vector<1xf32> to vector<1x1x1xf32>
    %reduce_sum3A_90 = vector.extract %reduce_sum3A_89[0, 0, 0] : f32 from vector<1x1x1xf32>
    %div3A_91 = arith.constant 1.000000e+05 : f32
    %div3A_92 = arith.divf %reduce_sum3A_90, %div3A_91 : f32
    %add3A_93 = arith.addf %add3A_72, %div3A_92 : f32
    %get3A_94 = arith.constant 0 : index
    %get3A_95 = arith.constant 0 : index
    %get3A_96 = arith.constant 0 : index
    %get3A_97 = vector.load %arg5[%get3A_94, %get3A_95, %get3A_96] : memref<3x784x128xf32, #tpu.memory_space<vmem>>, vector<3x784x128xf32>
    %get3A_98 = arith.constant 0 : index
    %get3A_99 = arith.constant 0 : index
    %get3A_100 = arith.constant 0 : index
    %get3A_101 = vector.load %arg9[%get3A_98, %get3A_99, %get3A_100] : memref<3x784x128xf32, #tpu.memory_space<vmem>>, vector<3x784x128xf32>
    %sub3A_102 = arith.subf %get3A_97, %get3A_101 : vector<3x784x128xf32>
    %abs3A_103 = math.absf %get3A_101 : vector<3x784x128xf32>
    %add3A_104 = arith.constant 9.99999997E-7 : f32
    %add3A_105 = vector.broadcast %add3A_104 : f32 to vector<3x784x128xf32>
    %add3A_106 = arith.addf %abs3A_103, %add3A_105 : vector<3x784x128xf32>
    %div3A_107 = arith.divf %sub3A_102, %add3A_106 : vector<3x784x128xf32>
    %mul3A_108 = arith.mulf %div3A_107, %div3A_107 : vector<3x784x128xf32>
    %reduce_sum3A_109 = vector.shape_cast %mul3A_108 : vector<3x784x128xf32> to vector<1x3x784x128xf32>
    %reduce_sum3A_110 = arith.constant dense<0.000000e+00> : vector<1xf32>
    %reduce_sum3A_111 = vector.multi_reduction <add>, %reduce_sum3A_109, %reduce_sum3A_110 [1, 2, 3] : vector<1x3x784x128xf32> to vector<1xf32>
    %reduce_sum3A_112 = vector.shape_cast %reduce_sum3A_111 : vector<1xf32> to vector<1x1x1x1xf32>
    %reduce_sum3A_113 = vector.extract %reduce_sum3A_112[0, 0, 0, 0] : f32 from vector<1x1x1x1xf32>
    %div3A_114 = arith.constant 3.000000e+05 : f32
    %div3A_115 = arith.divf %reduce_sum3A_113, %div3A_114 : f32
    %add3A_116 = arith.addf %add3A_93, %div3A_115 : f32
    %div3A_117 = arith.constant 4.000000e+00 : f32
    %div3A_118 = arith.divf %add3A_116, %div3A_117 : f32
    %mul3A_119 = arith.constant 1.000000e+00 : f32
    %mul3A_120 = arith.mulf %mul3A_119, %div3A_118 : f32
    %min3A = arith.constant 1.000000e+01 : f32
    %min3A_121 = arith.minimumf %div3A_25, %min3A : f32
    %mul3A_122 = arith.constant 5.000000e-02 : f32
    %mul3A_123 = arith.mulf %mul3A_122, %min3A_121 : f32
    %add3A_124 = arith.addf %mul3A_120, %mul3A_123 : f32
    %min3A_125 = arith.constant 1.000000e+01 : f32
    %min3A_126 = arith.minimumf %div3A_33, %min3A_125 : f32
    %mul3A_127 = arith.constant 2.000000e-02 : f32
    %mul3A_128 = arith.mulf %mul3A_127, %min3A_126 : f32
    %add3A_129 = arith.addf %add3A_124, %mul3A_128 : f32
    %reshape3A = vector.broadcast %add3A_129 : f32 to vector<1x1xf32>
    %swap3A = arith.constant 0 : index
    %swap3A_130 = arith.constant 0 : index
    %swap3A_131 = vector.load %arg10[%swap3A, %swap3A_130] : memref<1x1xf32, #tpu.memory_space<vmem>>, vector<1x1xf32>
    tpu.vector_store %arg10[%swap3A, %swap3A_130], %reshape3A {strides = array<i32>} : memref<1x1xf32, #tpu.memory_space<vmem>>, vector<1x1xf32>,
    return
  }
}

</mosaic_0001>

<sc_bundles>
// kernel: kernel.4.cloned.1.call-start
scs
__scs_entry_jumppad:
0x0: {  	(pc) =	sbr.rel $0x88, $3  }
0x1: {  	(tag) =	ssettag $0x0;
	lr =	simm.s32 $0x1  }
0x2: {  	[smem:$0x3F95] =	sst lr;
	_ =	strace $0xD0000000  }
0x3: {  	_ = 	snop  }
0x4: {  	_ = 	snop  }
0x5: {  	_ = 	snop  }
0x6: {  	_ = 	snop  }
0x7: {  	_ = 	snop  }
__scs_overlays_trampoline_lowered:
0x8: {  	[smem:$0x3FA4] =	sst s0  }
0x9: {  	[smem:$0x3FA5] =	sst s1  }
0xa: {  	[smem:$0x3FA6] =	sst s2  }
0xb: {  	[smem:$0x3FA7] =	sst s3  }
0xc: {  	[smem:$0x3FA8] =	sst s4  }
0xd: {  	[smem:$0x3FA9] =	sst s5  }
0xe: {  	[smem:$0x3FAA] =	sst s6  }
0xf: {  	[smem:$0x3FAB] =	sst s7  }
0x10: {  	[smem:$0x3FAC] =	sst s8  }
0x11: {  	[smem:$0x3FAD] =	sst s9;
	s0 =	simm.s32 @!p0 $0x0  }
0x12: {  	s1 =	sld [smem:$0x3F93];
	s0 =	simm.s32 @p0 $0x1  }
0x13: {  	[smem:$0x3FAE] =	sst s0;
	s0 =	simm.s32 @!p1 $0x0  }
0x14: {  	s2 =	sld [smem:$0x3F92];
	s0 =	simm.s32 @p1 $0x1  }
0x15: {  	[smem:$0x3FAF] =	sst s0;
	s0 =	simm.s32 @!p2 $0x0  }
0x16: {  	s3 =	sld [smem:$0x3FDB];
	s0 =	simm.s32 @p2 $0x1  }
0x17: {  	s4 =	simm.s32 $0x1BF5;
	[smem:$0x3FB1] =	sst s0  }
0x18: {  	s0 =	sld [smem:$0x3F94];
	_ =	swait.ge [sflag:s4], $0x0  }
0x19: {  	s7 =	sld [smem:$0x3F95]  }
0x1a: {  	s8 =	sadd.s32 $0xFFFFE003, lr  }
0x1b: {  	s9 =	sadd.s32 $0xFFFFFEF7, lr;
	s5 =	simm.s32 $0xFFFFFFFF;
	p2 =	slt.u32 s8, $0xFFFFF086  }
0x1c: {  	p1 =	slt.u32 s9, $0xF7A;
	s5 =	simm.s32 @!p2 $0x0  }
0x1d: {  	s5 =	simm.s32 @p1 $0x1;
	p0 =	seq.s32 s7, s2  }
0x1e: {  	s7 =	smul.u32 @!p0 $0xF7A, s2;
	p2 =	seq.s32 @!p0 s5, $0x0  }
0x1f: {  	s9 =	smul.u32 $0xF7A, s1;
	s8 =	simm.s32 @!p0 $0x1BF5;
	p2 =	por !p2, p0  }
0x20: {  	[sflag:s8] =	ssyncset.s32 @!p0 $0xFFFFF086;
	s6 =	sadd.s32 @!p0 s3, s7;
	s7 =	simm.s32 @!p0 $0x108  }
0x21: {  	s3 =	sadd.s32 s3, s9;
	s6 =	sadd.s32 @!p0 $0x88, s6;
	s7 =	simm.s32 @p2 $0x1082  }
0x22: {  	[simem:s7], [sflag:s8] =	dma.local @!p0 [hbm:s6], $0xF7A  }
0x23: {  	s9 =	sor.u32 $0xD0000000, s2;
	s6 =	simm.s32 $0x108;
	_ =	swait.ge @!p0 [sflag:s8], $0x0  }
0x24: {  	s3 =	sadd.s32 $0x88, s3;
	s6 =	simm.s32 @!p1 $0x1082;
	[sflag:s4] =	ssyncset.s32 $0xFFFFF086  }
0x25: {  	[simem:s6], [sflag:s4] =	dma.local [hbm:s3], $0xF7A  }
0x26: {  	[smem:$0x3F95] =	sst s1;
	(tag) =	ssettag s2;
	_ =	strace s9  }
0x27: {  	s1 =	sld [smem:$0x3FA5]  }
0x28: {  	s2 =	sld [smem:$0x3FA6]  }
0x29: {  	s4 =	sld [smem:$0x3FA8]  }
0x2a: {  	p0 =	seq.s32 s5, $0x0;
	s5 =	sld [smem:$0x3FA9]  }
0x2b: {  	s6 =	sld [smem:$0x3FAA]  }
0x2c: {  	s7 =	sld [smem:$0x3FAB]  }
0x2d: {  	s3 =	simm.s32 $0x108;
	s8 =	sld [smem:$0x3FAC]  }
0x2e: {  	s3 =	simm.s32 @!p0 $0x1082;
	s9 =	sld [smem:$0x3FAD]  }
0x2f: {  	lr =	sadd.s32 s0, s3;
	s0 =	sld [smem:$0x3FA4]  }
0x30: {  	s3 =	sld [smem:$0x3FA7]  }
0x31: {  	[smem:$0x3FB0] =	sst s10  }
0x32: {  	s10 =	sld [smem:$0x3FAE];
	_ =	sdelay $0x3  }
0x33: {  	p0 =	seq.s32 s10, $0x1;
	s10 =	sld [smem:$0x3FB0];
	_ =	sdelay $0x3  }
0x34: {  	[smem:$0x3FB0] =	sst s10  }
0x35: {  	s10 =	sld [smem:$0x3FAF];
	_ =	sdelay $0x3  }
0x36: {  	p1 =	seq.s32 s10, $0x1;
	s10 =	sld [smem:$0x3FB0];
	_ =	sdelay $0x3  }
0x37: {  	[smem:$0x3FB0] =	sst s10  }
0x38: {  	s10 =	sld [smem:$0x3FB1]  }
0x39: {  	_ = 	snop;
	(pc) =	sbr.ind lr, $3  }
0x3a: {  	_ = 	snop  }
0x3b: {  	_ = 	snop  }
0x3c: {  	p2 =	seq.s32 s10, $0x1;
	s10 =	sld [smem:$0x3FB0]  }
0x3d: {  	_ =	shalt  }
0x3e: {  	_ =	shalt  }
0x3f: {  	_ =	shalt  }
0x40: {  	_ =	shalt  }
0x41: {  	_ =	shalt  }
0x42: {  	_ =	shalt  }
0x43: {  	_ =	shalt  }
0x44: {  	_ =	shalt  }
0x45: {  	_ =	shalt  }
0x46: {  	_ =	shalt  }
0x47: {  	_ =	shalt  }
0x48: {  	_ =	shalt  }
0x49: {  	_ =	shalt  }
0x4a: {  	_ =	shalt  }
0x4b: {  	_ =	shalt  }
0x4c: {  	_ =	shalt  }
0x4d: {  	_ =	shalt  }
0x4e: {  	_ =	shalt  }
0x4f: {  	_ =	shalt  }
0x50: {  	_ =	shalt  }
0x51: {  	_ =	shalt  }
0x52: {  	_ =	shalt  }
0x53: {  	_ =	shalt  }
0x54: {  	_ =	shalt  }
0x55: {  	_ =	shalt  }
0x56: {  	_ =	shalt  }
0x57: {  	_ =	shalt  }
0x58: {  	_ =	shalt  }
0x59: {  	_ =	shalt  }
0x5a: {  	_ =	shalt  }
0x5b: {  	_ =	shalt  }
0x5c: {  	_ =	shalt  }
0x5d: {  	_ =	shalt  }
0x5e: {  	_ =	shalt  }
0x5f: {  	_ =	shalt  }
0x60: {  	_ =	shalt  }
0x61: {  	_ =	shalt  }
0x62: {  	_ =	shalt  }
0x63: {  	_ =	shalt  }
0x64: {  	_ =	shalt  }
0x65: {  	_ =	shalt  }
0x66: {  	_ =	shalt  }
0x67: {  	_ =	shalt  }
0x68: {  	_ =	shalt  }
0x69: {  	_ =	shalt  }
0x6a: {  	_ =	shalt  }
0x6b: {  	_ =	shalt  }
0x6c: {  	_ =	shalt  }
0x6d: {  	_ =	shalt  }
0x6e: {  	_ =	shalt  }
0x6f: {  	_ =	shalt  }
0x70: {  	_ =	shalt  }
0x71: {  	_ =	shalt  }
0x72: {  	_ =	shalt  }
0x73: {  	_ =	shalt  }
0x74: {  	_ =	shalt  }
0x75: {  	_ =	shalt  }
0x76: {  	_ =	shalt  }
0x77: {  	_ =	shalt  }
0x78: {  	_ =	shalt  }
0x79: {  	_ =	shalt  }
0x7a: {  	_ =	shalt  }
0x7b: {  	_ =	shalt  }
0x7c: {  	_ =	shalt  }
0x7d: {  	_ =	shalt  }
0x7e: {  	_ =	shalt  }
0x7f: {  	_ =	shalt  }
0x80: {  	_ =	shalt  }
0x81: {  	_ =	shalt  }
0x82: {  	_ =	shalt  }
0x83: {  	_ =	shalt  }
0x84: {  	_ =	shalt  }
0x85: {  	_ =	shalt  }
0x86: {  	_ =	shalt  }
0x87: {  	_ =	shalt  }
.Lfunc_end0:
.L_simem_size_0:
called_computation_lowered:
.L_overlay_start_0:
0x88: {  	s2 =	sld [smem:$0x3FD9]  }
0x89: {  	s3 =	sld [smem:$0x3FFE];
	_ =	sdelay $0x1  }
0x8a: {  	s1 =	srdreg.scid  }
0x8b: {  	s0 =	sand.u32 $0x1, s1  }
0x8c: {  	s16 =	sshll.u32 s0, $0xA;
	s2 =	sadd.s32 s3, s2  }
0x8d: {  	s2 =	sadd.s32 s2, s16  }
0x8e: {  	[smem:$0x3FBC] =	sst s2  }
0x8f: {  	_ = 	snop  }
0x90: {  	(tm) =	ssettm $0x1  }
0x91: {  	s17 =	sld [smem:$0x3FFB];
	_ =	sdelay $0x3  }
0x92: {  	_ =	strace s17  }
0x93: {  	s2 =	sld [smem:$0x3FFC];
	_ =	sdelay $0x3  }
0x94: {  	_ =	strace s2  }
0x95: {  	s2 =	sld [smem:$0x3FFD];
	_ =	sdelay $0x3  }
0x96: {  	_ =	strace s2  }
0x97: {  	_ =	strace $0x8FFFFFFF  }
0x98: {  	s18 =	sld [smem:$0x3FDB];
	_ =	sdelay $0x1  }
0x99: {  	s19 =	simm.s32 $_scs_section_size  }
0x9a: {  	s4 =	simm.s32 $_size__tile_overlayer_lowered;
	s5 =	simm.s32 $_tile_overlayer_lowered  }
0x9b: {  	s22 =	simm.s32 $0x1BFF;
	s21 =	sshll.u32 s5, $0x1;
	s2 =	sadd.s32 s19, s18  }
0x9c: {  	s6 =	simm.s32 $0x0;
	s20 =	sshll.u32 s4, $0x1;
	s4 =	sadd.s32 s21, s2  }
0x9d: {  	[timem:s6], [sflag:s22] =	dma.local [hbm:s4], s20  }
0x9e: {  	_ =	swait.ge [sflag:s22], s20  }
0x9f: {  	s3 =	ssub.s32 $0x0, s20;
	[sflag:s22] =	ssyncset.done $0x0  }
0xa0: {  	[sflag:s22] =	ssyncadd.s32 s3;
	_ =	sdelay $0x1  }
0xa1: {  	s23 =	simm.s32 $0x1B8B  }
0xa2: {  	_ =	swait.ge [sflag:s23], $0x1  }
0xa3: {  	[sflag:s23] =	ssyncset.done $0x0  }
0xa4: {  	s25 =	simm.s32 $0x1B8E;
	s24 =	sld [smem:$0x3FFE];
	[sflag:s23] =	ssyncadd.s32 $0xFFFFFFFF  }
0xa5: {  	s26 =	simm.s32 $execute0_lowered;
	[smem:$0x3FD2] =	sst s25  }
0xa6: {  	s4 =	sshll.u32 s26, $0x1;
	_ =	strace $0x80000046;
	[dreg:$0x1] =	wrdreg $0xFFFFFFFF  }
0xa7: {  	s28 =	simm.s32 $_size_execute0_lowered;
	s2 =	sadd.s32 s2, s4;
	[dreg:$0x0] =	wrdreg $0x0  }
0xa8: {  	s4 =	sshll.u32 s28, $0x1;
	[dreg:$0x2] =	wrdreg s2  }
0xa9: {  	[dreg:$0x3] =	wrdreg s4  }
0xaa: {  	[dreg:$0x4] =	wrdreg $0xC0  }
0xab: {  	_ =	task [dreg:s6], $0x5FFFF  }
0xac: {  	[dreg:$0x1] =	wrdreg $0xFFFFFFFF  }
0xad: {  	[dreg:$0x0] =	wrdreg $0x60  }
0xae: {  	[dreg:$0x2] =	wrdreg s24  }
0xaf: {  	[dreg:$0x3] =	wrdreg $0xD0000  }
0xb0: {  	[dreg:$0x4] =	wrdreg $0xE8800  }
0xb1: {  	[dreg:$0x5] =	wrdreg $0x101000  }
0xb2: {  	[dreg:$0x6] =	wrdreg $0x119800  }
0xb3: {  	[dreg:$0x7] =	wrdreg $0x132000  }
0xb4: {  	[dreg:$0x8] =	wrdreg $0x14A800  }
0xb5: {  	[dreg:$0x9] =	wrdreg $0x163000  }
0xb6: {  	[dreg:$0xa] =	wrdreg $0x17B800  }
0xb7: {  	[dreg:$0xb] =	wrdreg $0x194000  }
0xb8: {  	[dreg:$0xc] =	wrdreg $0x1AC800  }
0xb9: {  	[dreg:$0xd] =	wrdreg $0x1C5000  }
0xba: {  	[dreg:$0xe] =	wrdreg $0x1DD800  }
0xbb: {  	[dreg:$0xf] =	wrdreg $0x9  }
0xbc: {  	_ =	task.clear_ibuf [dreg:s6], $0x10FFFF;
	_ =	strace $0x90000046  }
0xbd: {  	s29 =	simm.s32 $0x9;
	_ =	strace $0x80000048  }
0xbe: {  	_ =	swait.ge [sflag:s29], $0x1  }
0xbf: {  	[sflag:s29] =	ssyncadd.s32 $0xFFFFFFFF  }
0xc0: {  	_ =	strace $0x90000048  }
0xc1: {  	_ =	sfence  }
0xc2: {  	s30 =	sld [smem:$0x0];
	_ =	sdelay $0x2  }
0xc3: {  	s31 =	sshll.u32 s1, $0xD;
	s1 =	sshrl.u32 s1, $0x2  }
0xc4: {  	s3 =	sand.u32 $0x4000, s31;
	s1 =	sadd.s32 s1, s30  }
0xc5: {  	s0 =	sor.u32 s3, s0;
	s1 =	sshll.u32 s1, $0x11  }
0xc6: {  	s0 =	sor.u32 s1, s0  }
0xc7: {  	s0 =	sadd.s32 $0x8F2B, s0  }
0xc8: {  	[sflag:s0] =	ssyncadd.remote.s32 $0x1  }
0xc9: {  	_ =	sfence.sel $0xFFFF  }
0xca: {  	[dreg:$0x0] =	wrdreg $0xFFFFFFFF;
	(pc) =	sbr.abs _section_cstart, $3  }
0xcb: {  	[dreg:$0x1] =	wrdreg $0xFFFFFFFF  }
0xcc: {  	_ =	task.clear_ibuf [dreg:s6], $0x2FFFF;
	_ =	strace $0x9FFFFFFF  }
0xcd: {  	(tm) =	ssettm $0x7FFFFFFF  }
tec
execute0_lowered:
.L_overlay_start_1:
0x0: {  	(tag) =	ssettag $0x1  }
0x1: {  	s8 =	rddreg [dreg:$0x0]  }
0x2: {  	s0 =	rddreg [dreg:$0x1]  }
0x3: {  	s1 =	rddreg [dreg:$0x2]  }
0x4: {  	s2 =	rddreg [dreg:$0x3]  }
0x5: {  	s3 =	rddreg [dreg:$0x4]  }
0x6: {  	s4 =	rddreg [dreg:$0x5]  }
0x7: {  	s5 =	rddreg [dreg:$0x6]  }
0x8: {  	s6 =	rddreg [dreg:$0x7]  }
0x9: {  	s7 =	rddreg [dreg:$0x8]  }
0xa: {  	s9 =	rddreg [dreg:$0x9]  }
0xb: {  	s11 =	rddreg [dreg:$0xa]  }
0xc: {  	s12 =	rddreg [dreg:$0xb]  }
0xd: {  	s13 =	rddreg [dreg:$0xc]  }
0xe: {  	s21 =	stileid.u32;
	s15 =	srdreg.scid  }
0xf: {  	s14 =	simm.s32 $0x0;
	s10 =	smul.u32 $0x1880, s21;
	s17 =	sand.u32 $0x1, s15  }
0x10: {  	[smem:$0x7FF] =	sst s14;
	s15 =	sadd.s32 $0xDEA00, s8;
	s16 =	sadd.s32 $0x1A2A00, s8  }
0x11: {  	s20 =	sadd.s32 $0x1B400, s8;
	s25 =	sshll.u32 s21, $0x6;
	s18 =	smul.u32 $0x62000, s17  }
0x12: {  	_ =	strace $0x80000047;
	[dreg:$0xe] =	wrdreg s20;
	s23 =	ssub.s32 $0x2, s17  }
0x13: {  	s17 =	sshll.u32 s17, $0x4;
	s22 =	sshrl.u32 s10, $0x3;
	s29 =	sadd.s32 s10, s9  }
0x14: {  	s20 =	sadd.s32 s10, s1;
	[dreg:$0x18] =	wrdreg s29;
	s29 =	sadd.s32 s10, s11  }
0x15: {  	s19 =	sadd.s32 s22, s8;
	s20 =	sshrl.u32 s20, $0x3;
	[dreg:$0x19] =	wrdreg s29  }
0x16: {  	s28 =	sor.u32 $0x1C02, s25;
	s26 =	sadd.s32 $0x18200, s19;
	[smem:$0x7F7] =	sst s20  }
0x17: {  	s17 =	sor.u32 s21, s17;
	s21 =	sadd.s32 $0x15000, s19;
	[dreg:$0xf] =	wrdreg s26  }
0x18: {  	s24 =	sshrl.u32 s23, $0x1;
	s22 =	sadd.s32 $0x11E00, s19;
	[dreg:$0x11] =	wrdreg s21  }
0x19: {  	s18 =	sadd.s32 s10, s18;
	s25 =	sadd.s32 $0x8800, s19;
	[dreg:$0x12] =	wrdreg s22  }
0x1a: {  	s18 =	sshrl.u32 s18, $0x3;
	s29 =	sadd.s32 s10, s12;
	[dreg:$0x15] =	wrdreg s25  }
0x1b: {  	s20 =	smov.u32 s28;
	s8 =	sadd.s32 s18, s8;
	[dreg:$0x1a] =	wrdreg s29  }
0x1c: {  	s18 =	ssub.s32 s23, s24;
	s23 =	sadd.s32 $0xEC00, s19;
	[dreg:$0x10] =	wrdreg s20  }
0x1d: {  	s24 =	sadd.s32 $0xBA00, s19;
	s26 =	sadd.s32 $0x5600, s19;
	[dreg:$0x13] =	wrdreg s23  }
0x1e: {  	s19 =	sadd.s32 $0x2400, s19;
	s21 =	sadd.s32 s10, s2;
	[dreg:$0x14] =	wrdreg s24  }
0x1f: {  	s22 =	sadd.s32 s10, s3;
	s25 =	sadd.s32 s10, s6;
	[dreg:$0x16] =	wrdreg s26  }
0x20: {  	[dreg:$0x17] =	wrdreg s19;
	s19 =	sadd.s32 s10, s0;
	s23 =	sadd.s32 s10, s4  }
0x21: {  	s24 =	sadd.s32 s10, s5;
	s26 =	sadd.s32 s10, s7;
	s10 =	sadd.s32 s10, s13  }
0x22: {  	s18 =	smax.u32 s18, $0x1;
	[dreg:$0x1b] =	wrdreg s10  }
0x23: {  	s21 =	sshrl.u32 s21, $0x3;
	[smem:$0x7F5] =	sst s18  }
0x24: {  	s22 =	sshrl.u32 s22, $0x3;
	[smem:$0x7F8] =	sst s21  }
0x25: {  	s30 =	simm.s32 $0xC000;
	s25 =	sshrl.u32 s25, $0x3;
	[smem:$0x7F9] =	sst s22  }
0x26: {  	s10 =	smul.u32 $0x31000, s17;
	s17 =	sadd.s32 $0x1B800, s8;
	[smem:$0x7FC] =	sst s25  }
0x27: {  	s31 =	simm.s32 $0xA800;
	s19 =	sshrl.u32 s19, $0x3;
	[dreg:$0x1c] =	wrdreg s17  }
0x28: {  	s28 =	simm.s32 $0xB800;
	s23 =	sshrl.u32 s23, $0x3;
	[smem:$0x7F6] =	sst s19  }
0x29: {  	s29 =	simm.s32 $0xA000;
	s24 =	sshrl.u32 s24, $0x3;
	[smem:$0x7FA] =	sst s23  }
0x2a: {  	s26 =	sshrl.u32 s26, $0x3;
	s18 =	simm.s32 $0x800;
	[smem:$0x7FB] =	sst s24  }
0x2b: {  	s21 =	simm.s32 $0x0;
	s17 =	sadd.s32 $0x1E900, s8;
	[smem:$0x7FD] =	sst s26  }
0x2c: {  	s23 =	simm.s32 $0x1;
	[dreg:$0x1d] =	wrdreg s17;
	s17 =	sadd.s32 $0x21A00, s8  }
0x2d: {  	s26 =	simm.s32 $0x9800;
	s8 =	sadd.s32 $0x24B00, s8;
	[dreg:$0x1e] =	wrdreg s17  }
0x2e: {  	v0 =	vimm.f32 $1.000000000e+00;
	[dreg:$0x1f] =	wrdreg s8;
	s8 =	simm.s32 $0x2;
	s17 =	simm.s32 $0xC800  }
.LBB2_1:
0x2f: {  	s25 =	sld [smem:$0x7F6]  }
0x30: {  	[smem:$0x7F0] =	sst s21  }
0x31: {  	s19 =	rddreg [dreg:$0xf]  }
0x32: {  	[spmem:s25], [sflag:s20] =	dma.local [hbm:s19], $0x310  }
0x33: {  	_ =	swait.ge [sflag:s8], $0x310  }
0x34: {  	s22 =	sld [smem:$0x7F7]  }
0x35: {  	[sflag:s8] =	ssyncset.done $0x0  }
0x36: {  	s21 =	rddreg [dreg:$0x11];
	[sflag:s8] =	ssyncadd.s32 $0xFFFFFCF0  }
0x37: {  	[spmem:s22], [sflag:s20] =	dma.local [hbm:s21], $0x310  }
0x38: {  	_ =	swait.ge [sflag:s8], $0x310  }
0x39: {  	s25 =	sld [smem:$0x7F8]  }
0x3a: {  	[sflag:s8] =	ssyncset.done $0x0  }
0x3b: {  	s24 =	rddreg [dreg:$0x12];
	[sflag:s8] =	ssyncadd.s32 $0xFFFFFCF0  }
0x3c: {  	[spmem:s25], [sflag:s20] =	dma.local [hbm:s24], $0x310  }
0x3d: {  	_ =	swait.ge [sflag:s8], $0x310  }
0x3e: {  	s22 =	sld [smem:$0x7F9]  }
0x3f: {  	[sflag:s8] =	ssyncset.done $0x0  }
0x40: {  	s21 =	rddreg [dreg:$0x13];
	[sflag:s8] =	ssyncadd.s32 $0xFFFFFCF0  }
0x41: {  	[spmem:s22], [sflag:s20] =	dma.local [hbm:s21], $0x310  }
0x42: {  	_ =	swait.ge [sflag:s8], $0x310  }
0x43: {  	s25 =	sld [smem:$0x7FA]  }
0x44: {  	[sflag:s8] =	ssyncset.done $0x0  }
0x45: {  	s24 =	rddreg [dreg:$0x14];
	[sflag:s8] =	ssyncadd.s32 $0xFFFFFCF0  }
0x46: {  	[spmem:s25], [sflag:s20] =	dma.local [hbm:s24], $0x310  }
0x47: {  	_ =	swait.ge [sflag:s8], $0x310  }
0x48: {  	s22 =	sld [smem:$0x7FB]  }
0x49: {  	[sflag:s8] =	ssyncset.done $0x0  }
0x4a: {  	s21 =	rddreg [dreg:$0x15];
	[sflag:s8] =	ssyncadd.s32 $0xFFFFFCF0  }
0x4b: {  	[spmem:s22], [sflag:s20] =	dma.local [hbm:s21], $0x310  }
0x4c: {  	_ =	swait.ge [sflag:s8], $0x310  }
0x4d: {  	s25 =	sld [smem:$0x7FC]  }
0x4e: {  	[sflag:s8] =	ssyncset.done $0x0  }
0x4f: {  	s24 =	rddreg [dreg:$0x16];
	[sflag:s8] =	ssyncadd.s32 $0xFFFFFCF0  }
0x50: {  	[spmem:s25], [sflag:s20] =	dma.local [hbm:s24], $0x310  }
0x51: {  	_ =	swait.ge [sflag:s8], $0x310  }
0x52: {  	s22 =	sld [smem:$0x7FD]  }
0x53: {  	[sflag:s8] =	ssyncset.done $0x0  }
0x54: {  	s21 =	rddreg [dreg:$0x17];
	[sflag:s8] =	ssyncadd.s32 $0xFFFFFCF0  }
0x55: {  	[spmem:s22], [sflag:s20] =	dma.local [hbm:s21], $0x310  }
0x56: {  	_ =	swait.ge [sflag:s8], $0x310  }
0x57: {  	s24 =	rddreg [dreg:$0x18]  }
0x58: {  	[sflag:s8] =	ssyncset.done $0x0;
	s19 =	rddreg [dreg:$0xe];
	s25 =	sshrl.u32 s24, $0x3  }
0x59: {  	[sflag:s8] =	ssyncadd.s32 $0xFFFFFCF0;
	[smem:$0x7F1] =	sst s25  }
0x5a: {  	[spmem:s25], [sflag:s20] =	dma.local [hbm:s19], $0x310  }
0x5b: {  	_ =	swait.ge [sflag:s8], $0x310  }
0x5c: {  	s22 =	rddreg [dreg:$0x19]  }
0x5d: {  	[sflag:s8] =	ssyncset.done $0x0;
	s21 =	sshrl.u32 s22, $0x3  }
0x5e: {  	[sflag:s8] =	ssyncadd.s32 $0xFFFFFCF0;
	[smem:$0x7F2] =	sst s21  }
0x5f: {  	[spmem:s21], [sflag:s20] =	dma.local [hbm:s19], $0x310  }
0x60: {  	_ =	swait.ge [sflag:s8], $0x310  }
0x61: {  	s24 =	rddreg [dreg:$0x1a]  }
0x62: {  	[sflag:s8] =	ssyncset.done $0x0;
	s21 =	sshrl.u32 s24, $0x3  }
0x63: {  	[sflag:s8] =	ssyncadd.s32 $0xFFFFFCF0;
	[smem:$0x7F3] =	sst s21  }
0x64: {  	[spmem:s21], [sflag:s20] =	dma.local [hbm:s19], $0x310  }
0x65: {  	_ =	swait.ge [sflag:s8], $0x310  }
0x66: {  	s25 =	rddreg [dreg:$0x1b]  }
0x67: {  	[sflag:s8] =	ssyncset.done $0x0;
	s21 =	sshrl.u32 s25, $0x3  }
0x68: {  	[sflag:s8] =	ssyncadd.s32 $0xFFFFFCF0;
	[smem:$0x7F4] =	sst s21  }
0x69: {  	[spmem:s21], [sflag:s20] =	dma.local [hbm:s19], $0x310  }
0x6a: {  	_ =	swait.ge [sflag:s8], $0x310  }
0x6b: {  	[sflag:s8] =	ssyncset.done $0x0  }
0x6c: {  	[sflag:s8] =	ssyncadd.s32 $0xFFFFFCF0  }
0x6d: {  	s19 =	simm.s32 $0x0;
	[bflag:$0x0] =	sbarrier.arrive $0xFFFF  }
.LBB2_2:
0x6e: {  	s20 =	sshll.u32 s19, $0xB  }
0x6f: {  	s20 =	sadd.s32 s10, s20  }
0x70: {  	s20 =	sshrl.u32 s20, $0x3  }
0x71: {  	s22 =	simm.s32 $0x0;
	s21 =	sadd.s32 s15, s20  }
0x72: {  	[tilespmem:s22], [sflag:$0x2] =	stream.linear.gather [hbm4b:s21+s22], $0x800, $0x38;
	[tilespmem:$0x1F600] =	vst v63  }
0x73: {  	_ =	swait.ge [sflag:s8], $0x800  }
0x74: {  	[sflag:s8] =	ssyncset.done $0x0  }
0x75: {  	s20 =	sadd.s32 s16, s20;
	[sflag:s8] =	ssyncadd.s32 $0xFFFFF800  }
0x76: {  	[tilespmem:s18], [sflag:$0x2] =	stream.linear.gather [hbm4b:s20+s22], $0x800, $0x38;
	[tilespmem:$0x1F600] =	vst v63  }
0x77: {  	_ =	swait.ge [sflag:s8], $0x800  }
0x78: {  	[sflag:s8] =	ssyncset.done $0x0  }
0x79: {  	s24 =	simm.s32 $0x1000;
	[sflag:s8] =	ssyncadd.s32 $0xFFFFF800  }
0x7a: {  	[tilespmem:s24], [sflag:$0x1] =	stream.indirect.gather [spmem:s0], $0x1, s22, s18, $0xb8;
	[tilespmem:$0x1F600] =	vst v63  }
0x7b: {  	s25 =	simm.s32 $0x1800  }
0x7c: {  	[tilespmem:s25], [sflag:$0x1] =	stream.indirect.gather [spmem:s1], $0x1, s22, s18, $0xb8;
	[tilespmem:$0x1F600] =	vst v63  }
0x7d: {  	s21 =	simm.s32 $0x2000  }
0x7e: {  	[tilespmem:s21], [sflag:$0x1] =	stream.indirect.gather [spmem:s2], $0x1, s22, s18, $0xb8;
	[tilespmem:$0x1F600] =	vst v63  }
0x7f: {  	s24 =	simm.s32 $0x2800  }
0x80: {  	[tilespmem:s24], [sflag:$0x1] =	stream.indirect.gather [spmem:s3], $0x1, s22, s18, $0xb8;
	[tilespmem:$0x1F600] =	vst v63  }
0x81: {  	s25 =	simm.s32 $0x3000  }
0x82: {  	[tilespmem:s25], [sflag:$0x1] =	stream.indirect.gather [spmem:s4], $0x1, s22, s18, $0xb8;
	[tilespmem:$0x1F600] =	vst v63  }
0x83: {  	s21 =	simm.s32 $0x3800  }
0x84: {  	[tilespmem:s21], [sflag:$0x1] =	stream.indirect.gather [spmem:s5], $0x1, s22, s18, $0xb8;
	[tilespmem:$0x1F600] =	vst v63  }
0x85: {  	s24 =	simm.s32 $0x4000  }
0x86: {  	[tilespmem:s24], [sflag:$0x1] =	stream.indirect.gather [spmem:s6], $0x1, s22, s18, $0xb8;
	[tilespmem:$0x1F600] =	vst v63  }
0x87: {  	s25 =	simm.s32 $0x4800  }
0x88: {  	[tilespmem:s25], [sflag:$0x1] =	stream.indirect.gather [spmem:s7], $0x1, s22, s18, $0xb8;
	[tilespmem:$0x1F600] =	vst v63  }
0x89: {  	s21 =	simm.s32 $0x5000  }
0x8a: {  	[tilespmem:s21], [sflag:$0x1] =	stream.indirect.gather [spmem:s0], $0x1, s18, s18, $0xb8;
	[tilespmem:$0x1F600] =	vst v63  }
0x8b: {  	s22 =	simm.s32 $0x5800  }
0x8c: {  	[tilespmem:s22], [sflag:$0x1] =	stream.indirect.gather [spmem:s1], $0x1, s18, s18, $0xb8;
	[tilespmem:$0x1F600] =	vst v63  }
0x8d: {  	s24 =	simm.s32 $0x6000  }
0x8e: {  	[tilespmem:s24], [sflag:$0x1] =	stream.indirect.gather [spmem:s2], $0x1, s18, s18, $0xb8;
	[tilespmem:$0x1F600] =	vst v63  }
0x8f: {  	s25 =	simm.s32 $0x6800  }
0x90: {  	[tilespmem:s25], [sflag:$0x1] =	stream.indirect.gather [spmem:s3], $0x1, s18, s18, $0xb8;
	[tilespmem:$0x1F600] =	vst v63  }
0x91: {  	s21 =	simm.s32 $0x7000  }
0x92: {  	[tilespmem:s21], [sflag:$0x1] =	stream.indirect.gather [spmem:s4], $0x1, s18, s18, $0xb8;
	[tilespmem:$0x1F600] =	vst v63  }
0x93: {  	s22 =	simm.s32 $0x7800  }
0x94: {  	[tilespmem:s22], [sflag:$0x1] =	stream.indirect.gather [spmem:s5], $0x1, s18, s18, $0xb8;
	[tilespmem:$0x1F600] =	vst v63  }
0x95: {  	s24 =	simm.s32 $0x8000  }
0x96: {  	[tilespmem:s24], [sflag:$0x1] =	stream.indirect.gather [spmem:s6], $0x1, s18, s18, $0xb8;
	[tilespmem:$0x1F600] =	vst v63  }
0x97: {  	s25 =	simm.s32 $0x8800  }
0x98: {  	[tilespmem:s25], [sflag:$0x1] =	stream.indirect.gather [spmem:s7], $0x1, s18, s18, $0xb8;
	[tilespmem:$0x1F600] =	vst v63  }
0x99: {  	_ =	swait.ge [sflag:s23], $0x800  }
0x9a: {  	[sflag:s23] =	ssyncset.done $0x0  }
0x9b: {  	[sflag:s23] =	ssyncadd.s32 $0xFFFFF800  }
0x9c: {  	_ =	swait.ge [sflag:s23], $0x800  }
0x9d: {  	[sflag:s23] =	ssyncset.done $0x0  }
0x9e: {  	[sflag:s23] =	ssyncadd.s32 $0xFFFFF800  }
0x9f: {  	_ =	swait.ge [sflag:s23], $0x800  }
0xa0: {  	[sflag:s23] =	ssyncset.done $0x0  }
0xa1: {  	[sflag:s23] =	ssyncadd.s32 $0xFFFFF800  }
0xa2: {  	_ =	swait.ge [sflag:s23], $0x800  }
0xa3: {  	[sflag:s23] =	ssyncset.done $0x0  }
0xa4: {  	[sflag:s23] =	ssyncadd.s32 $0xFFFFF800  }
0xa5: {  	_ =	swait.ge [sflag:s23], $0x800  }
0xa6: {  	[sflag:s23] =	ssyncset.done $0x0  }
0xa7: {  	[sflag:s23] =	ssyncadd.s32 $0xFFFFF800  }
0xa8: {  	_ =	swait.ge [sflag:s23], $0x800  }
0xa9: {  	[sflag:s23] =	ssyncset.done $0x0  }
0xaa: {  	[sflag:s23] =	ssyncadd.s32 $0xFFFFF800  }
0xab: {  	_ =	swait.ge [sflag:s23], $0x800  }
0xac: {  	[sflag:s23] =	ssyncset.done $0x0  }
0xad: {  	[sflag:s23] =	ssyncadd.s32 $0xFFFFF800  }
0xae: {  	_ =	swait.ge [sflag:s23], $0x800  }
0xaf: {  	[sflag:s23] =	ssyncset.done $0x0  }
0xb0: {  	[sflag:s23] =	ssyncadd.s32 $0xFFFFF800  }
0xb1: {  	_ =	swait.ge [sflag:s23], $0x800  }
0xb2: {  	[sflag:s23] =	ssyncset.done $0x0  }
0xb3: {  	[sflag:s23] =	ssyncadd.s32 $0xFFFFF800  }
0xb4: {  	_ =	swait.ge [sflag:s23], $0x800  }
0xb5: {  	[sflag:s23] =	ssyncset.done $0x0  }
0xb6: {  	[sflag:s23] =	ssyncadd.s32 $0xFFFFF800  }
0xb7: {  	_ =	swait.ge [sflag:s23], $0x800  }
0xb8: {  	[sflag:s23] =	ssyncset.done $0x0  }
0xb9: {  	[sflag:s23] =	ssyncadd.s32 $0xFFFFF800  }
0xba: {  	_ =	swait.ge [sflag:s23], $0x800  }
0xbb: {  	[sflag:s23] =	ssyncset.done $0x0  }
0xbc: {  	[sflag:s23] =	ssyncadd.s32 $0xFFFFF800  }
0xbd: {  	_ =	swait.ge [sflag:s23], $0x800  }
0xbe: {  	[sflag:s23] =	ssyncset.done $0x0  }
0xbf: {  	[sflag:s23] =	ssyncadd.s32 $0xFFFFF800  }
0xc0: {  	_ =	swait.ge [sflag:s23], $0x800  }
0xc1: {  	[sflag:s23] =	ssyncset.done $0x0  }
0xc2: {  	[sflag:s23] =	ssyncadd.s32 $0xFFFFF800  }
0xc3: {  	_ =	swait.ge [sflag:s23], $0x800  }
0xc4: {  	[sflag:s23] =	ssyncset.done $0x0  }
0xc5: {  	[sflag:s23] =	ssyncadd.s32 $0xFFFFF800  }
0xc6: {  	_ =	swait.ge [sflag:s23], $0x800  }
0xc7: {  	[sflag:s23] =	ssyncset.done $0x0  }
0xc8: {  	s21 =	simm.s32 $0x0;
	[sflag:s23] =	ssyncadd.s32 $0xFFFFF800  }
0xc9: {  	v1 =	vld [tilespmem:s21+$0x1000]  }
0xca: {  	v2 =	vld [tilespmem:s21+$0x1800]  }
0xcb: {  	v3 =	vld [tilespmem:s21+$0x5000]  }
0xcc: {  	v4 =	vld [tilespmem:s21+$0x5800]  }
0xcd: {  	v5 =	vld [tilespmem:s21+$0x2000]  }
0xce: {  	v6 =	vld [tilespmem:s21+$0x6000];
	_ =	sdelay $0x2  }
0xcf: {  	v10 =	vsub.f32 v3, v1;
	v8 =	vsub.f32 v4, v2;
	_ =	sdelay $0x1  }
0xd0: {  	v11 =	vsub.f32 v6, v5;
	v1 =	vmul.f32 v10, v10;
	v2 =	vmul.f32 v8, v8;
	_ =	sdelay $0x1  }
0xd1: {  	v1 =	vadd.f32 v2, v1;
	v2 =	vmul.f32 v11, v11;
	_ =	sdelay $0x1  }
0xd2: {  	v1 =	vadd.f32 v2, v1;
	_ =	sdelay $0x1  }
0xd3: {  	v2 =	vmul.f32 $3.906250000e-03, v1  }
0xd4: {  	vm2 =	vge.f32 v1, $2.560000000e+02  }
0xd5: {  	v1 =	vsel vm2, v2, v1  }
0xd6: {  	v2 =	vmul.f32 $6.250000000e-02, v1  }
0xd7: {  	vm4 =	vge.f32 v1, $1.600000000e+01  }
0xd8: {  	v1 =	vsel vm4, v2, v1  }
0xd9: {  	v2 =	vmul.f32 $2.500000000e-01, v1  }
0xda: {  	vm5 =	vge.f32 v1, $4.000000000e+00  }
0xdb: {  	v7 =	vld [tilespmem:s21+$0x7000];
	v1 =	vsel vm5, v2, v1  }
0xdc: {  	s20 =	simm.s32 $0x10;
	v9 =	vld [tilespmem:s21+$0x7800];
	v2 =	vmul.f32 $5.000000000e-01, v1  }
0xdd: {  	v14 =	vld [tilespmem:s20+$0x1800];
	vm6 =	vge.f32 v1, $2.000000000e+00  }
0xde: {  	v4 =	vld [tilespmem:s21+$0x2800];
	v1 =	vsel vm6, v2, v1  }
0xdf: {  	v5 =	vld [tilespmem:s21+$0x6800];
	v6 =	vmul.f32 $6.553600000e+04, v1  }
0xe0: {  	v3 =	vld [tilespmem:s21+$0x3000];
	vm7 =	vlt.f32 v1, $3.051757810e-05  }
0xe1: {  	v2 =	vld [tilespmem:s21+$0x3800];
	v1 =	vsel vm7, v6, v1  }
0xe2: {  	v17 =	vld [tilespmem:s20+$0x5800];
	v12 =	vmul.f32 $2.560000000e+02, v1  }
0xe3: {  	v13 =	vld [tilespmem:s20+$0x1000];
	vm8 =	vlt.f32 v1, $7.812500000e-03  }
0xe4: {  	v15 =	vld [tilespmem:s20+$0x5000];
	v1 =	vsel vm8, v12, v1  }
0xe5: {  	v18 =	vld [tilespmem:s20+$0x6000];
	v3 =	vadd.f32 v7, v3;
	v16 =	vmul.f32 $1.600000000e+01, v1  }
0xe6: {  	v6 =	vld [tilespmem:s20+$0x2000];
	v7 =	vadd.f32 v9, v2;
	v12 =	vadd.f32 v5, v4;
	vm3 =	vlt.f32 v1, $1.250000000e-01  }
0xe7: {  	v2 =	vsub.f32 v17, v14;
	v16 =	vsel vm3, v16, v1  }
0xe8: {  	v19 =	vld [tilespmem:s21+$0x4000];
	v7 =	vmul.f32 v7, v8;
	v12 =	vadd.f32 $9.999999930e-09, v12;
	v20 =	vmul.f32 $4.000000000e+00, v16  }
0xe9: {  	v21 =	vld [tilespmem:s21+$0x8000];
	v14 =	vmul.f32 v2, v2;
	v1 =	vsub.f32 v15, v13;
	vm1 =	vlt.f32 v16, $5.000000000e-01  }
0xea: {  	(erf) = vrcp.f32 v12;
	v12 =	vmul.f32 v3, v10;
	v9 =	vsel vm1, v20, v16  }
0xeb: {  	v3 =	vsub.f32 v18, v6;
	v6 =	vmul.f32 v1, v1;
	v13 =	vadd.f32 v9, v9  }
0xec: {  	v4 =	vadd.f32 v4, v4;
	v7 =	vadd.f32 v7, v12;
	vm0 =	vlt.f32 v9, $1.000000000e+00  }
0xed: {  	v12 =	vld [tilespmem:s20+$0x2800];
	v6 =	vadd.f32 v14, v6;
	v14 =	vmul.f32 v3, v3;
	v9 =	vsel vm0, v13, v9  }
0xee: {  	v16 =	vld [tilespmem:s20+$0x6800];
	v13 =	vadd.f32 v21, v19;
	v15 =	vmul.f32 $-2.928999960e-01, v9  }
0xef: {  	v4 =	vmul.f32 v5, v4;
	v18 =	vsel vm2, $0x41800000, v0;
	v5 =	vadd.f32 v14, v6  }
0xf0: {  	v17 =	vmul.f32 $5.000000000e-01, v9;
	v13 =	vmul.f32 v13, v11;
	v15 =	vadd.f32 $1.269999980e+00, v15  }
0xf1: {  	v20 =	vmul.f32 $4.000000000e+00, v18  }
0xf2: {  	v14 =	vmul.f32 $3.906250000e-03, v5;
	v6 =	vadd.f32 v13, v7;
	v13 =	vmul.f32 v15, v17  }
0xf3: {  	v19 =	vld [tilespmem:s20+$0x3800];
	vm2 =	vge.f32 v5, $2.560000000e+02;
	v22 =	vadd.f32 v16, v12;
	v12 =	vadd.f32 v12, v12  }
0xf4: {  	v18 =	vsel vm4, v20, v18;
	v21 =	vld [tilespmem:s20+$0x7000];
	v5 =	vsel vm2, v14, v5;
	v13 =	vmul.f32 v13, v15  }
0xf5: {  	v7 =	vpop (erf);
	v14 =	vld [tilespmem:s20+$0x7800];
	v20 =	vadd.f32 $9.999999930e-09, v22;
	v22 =	vadd.f32 v18, v18;
	v12 =	vmul.f32 v16, v12  }
0xf6: {  	v4 =	vmul.f32 v7, v4;
	v7 =	vld [tilespmem:s20+$0x3000];
	v23 =	vmul.f32 $6.250000000e-02, v5;
	v13 =	vsub.f32 $1.500000000e+00, v13  }
0xf7: {  	vm4 =	vge.f32 v5, $1.600000000e+01;
	v6 =	vmul.f32 $5.000000000e-01, v6;
	v18 =	vsel vm5, v22, v18;
	v22 =	vld [tilespmem:s20+$0x8000]  }
0xf8: {  	v5 =	vsel vm4, v23, v5;
	v23 =	vmul.f32 $1.414213540e+00, v18;
	v13 =	vmul.f32 v13, v15;
	v15 =	vld [tilespmem:s20+$0x4000]  }
0xf9: {  	(erf) = vrcp.f32 v20;
	v20 =	vmul.f32 $2.500000000e-01, v5;
	vm5 =	vge.f32 v5, $4.000000000e+00  }
0xfa: {  	v14 =	vadd.f32 v14, v19;
	v18 =	vsel vm6, v23, v18;
	v24 =	vmul.f32 v13, v17  }
0xfb: {  	v7 =	vadd.f32 v21, v7;
	v5 =	vsel vm5, v20, v5;
	v21 =	vmul.f32 $3.906250000e-03, v18  }
0xfc: {  	v19 =	vmul.f32 $5.000000000e-01, v5;
	vm6 =	vge.f32 v5, $2.000000000e+00;
	v20 =	vmul.f32 v24, v13  }
0xfd: {  	v14 =	vmul.f32 v14, v2;
	v18 =	vsel vm7, v21, v18;
	v15 =	vadd.f32 v22, v15  }
0xfe: {  	v5 =	vsel vm6, v19, v5;
	v21 =	vmul.f32 $6.250000000e-02, v18;
	v19 =	vsub.f32 $1.500000000e+00, v20  }
0xff: {  	v7 =	vmul.f32 v7, v1;
	v15 =	vmul.f32 v15, v3  }
0x100: {  	v16 =	vld [tilespmem:s21+$0x8800];
	v18 =	vsel vm8, v21, v18;
	v20 =	vmul.f32 $6.553600000e+04, v5;
	v13 =	vmul.f32 v19, v13  }
0x101: {  	s22 =	simm.s32 $0x20;
	v7 =	vadd.f32 v14, v7;
	v14 =	vld [tilespmem:s21+$0x4800];
	vm7 =	vlt.f32 v5, $3.051757810e-05;
	v21 =	vmul.f32 $2.500000000e-01, v18  }
0x102: {  	v25 =	vmul.f32 v6, v4;
	v24 =	vld [tilespmem:s22+$0x5800];
	v5 =	vsel vm7, v20, v5;
	v17 =	vmul.f32 v13, v17  }
0x103: {  	v22 =	vld [tilespmem:s22+$0x1000];
	v18 =	vsel vm3, v21, v18;
	v7 =	vadd.f32 v15, v7;
	v20 =	vmul.f32 $2.560000000e+02, v5;
	v15 =	vpop (erf)  }
0x104: {  	v19 =	vld [tilespmem:s22+$0x2000];
	vm8 =	vlt.f32 v5, $7.812500000e-03;
	v12 =	vmul.f32 v15, v12;
	v15 =	vmul.f32 v17, v13  }
0x105: {  	v23 =	vmul.f32 $5.000000000e-01, v18;
	v7 =	vmul.f32 $5.000000000e-01, v7;
	v5 =	vsel vm8, v20, v5;
	v20 =	vld [tilespmem:s22+$0x5000]  }
0x106: {  	v14 =	vadd.f32 v16, v14;
	v17 =	vld [tilespmem:s22+$0x1800];
	v21 =	vmul.f32 $1.600000000e+01, v5;
	v15 =	vsub.f32 $1.500000000e+00, v15  }
0x107: {  	v16 =	vld [tilespmem:s22+$0x6800];
	vm9 =	vlt.f32 v5, $1.250000000e-01;
	v6 =	vmul.f32 v7, v12;
	v12 =	vsel vm1, v23, v18  }
0x108: {  	v7 =	vld [tilespmem:s22+$0x6000];
	v5 =	vsel vm9, v21, v5;
	v18 =	vmul.f32 $7.071067690e-01, v12;
	v4 =	vmul.f32 v15, v13  }
0x109: {  	v23 =	vld [tilespmem:s22+$0x7800];
	v15 =	vmul.f32 $4.000000000e+00, v5  }
0x10a: {  	vm1 =	vlt.f32 v5, $5.000000000e-01;
	v13 =	vld [tilespmem:s22+$0x2800];
	v12 =	vsel vm0, v18, v12;
	v9 =	vmul.f32 v4, v9  }
0x10b: {  	v4 =	vsub.f32 v20, v22;
	v15 =	vsel vm1, v15, v5;
	v5 =	vsub.f32 v24, v17;
	v17 =	vld [tilespmem:s22+$0x3800]  }
0x10c: {  	v14 =	vmul.f32 $5.000000000e-01, v14;
	v18 =	vadd.f32 v15, v15;
	v12 =	vmul.f32 v9, v12  }
0x10d: {  	v20 =	vld [tilespmem:s22+$0x3000];
	vm0 =	vlt.f32 v15, $1.000000000e+00;
	v21 =	vmul.f32 v4, v4;
	v22 =	vmul.f32 v5, v5  }
0x10e: {  	v7 =	vsub.f32 v7, v19;
	v19 =	vld [tilespmem:s22+$0x7000];
	v9 =	vsel vm0, v18, v15;
	v18 =	vadd.f32 $9.999999930e-09, v12  }
0x10f: {  	v12 =	vmul.f32 $-2.928999960e-01, v9;
	v15 =	vadd.f32 v22, v21;
	v22 =	vadd.f32 v13, v13  }
0x110: {  	v21 =	vmul.f32 v7, v7;
	v13 =	vadd.f32 v16, v13;
	v17 =	vadd.f32 v23, v17  }
0x111: {  	v26 =	vmul.f32 $5.000000000e-01, v9;
	v24 =	vmul.f32 v18, v14;
	v12 =	vadd.f32 $1.269999980e+00, v12  }
0x112: {  	v14 =	vadd.f32 v21, v15;
	v15 =	vld [tilespmem:s22+$0x4000];
	v13 =	vadd.f32 $9.999999930e-09, v13;
	v17 =	vmul.f32 v17, v5  }
0x113: {  	v19 =	vadd.f32 v19, v20;
	v20 =	vld [tilespmem:s22+$0x8000];
	v11 =	vmul.f32 v24, v11;
	v21 =	vmul.f32 v12, v26  }
0x114: {  	v23 =	vmul.f32 $3.906250000e-03, v14;
	(erf) = vrcp.f32 v13;
	v13 =	vsel vm2, $0x41800000, v0  }
0x115: {  	vm3 =	vge.f32 v14, $2.560000000e+02;
	v27 =	vmul.f32 $4.000000000e+00, v13;
	v21 =	vmul.f32 v21, v12  }
0x116: {  	v19 =	vmul.f32 v19, v4;
	v14 =	vsel vm3, v23, v14;
	v23 =	vsub.f32 $0.0e+00, v11  }
0x117: {  	v13 =	vsel vm4, v27, v13;
	v27 =	vmul.f32 $6.250000000e-02, v14;
	v21 =	vsub.f32 $1.500000000e+00, v21  }
0x118: {  	vm4 =	vge.f32 v14, $1.600000000e+01;
	v15 =	vadd.f32 v20, v15;
	v20 =	vadd.f32 v13, v13  }
0x119: {  	v17 =	vadd.f32 v17, v19;
	v14 =	vsel vm4, v27, v14;
	v19 =	vmul.f32 v21, v12  }
0x11a: {  	[tilespmem:s21+$0xA800] =	vst v11;
	v11 =	vmul.f32 $2.500000000e-01, v14;
	v12 =	vmul.f32 v15, v7;
	v15 =	vsel vm5, v20, v13  }
0x11b: {  	vm2 =	vge.f32 v14, $4.000000000e+00;
	v20 =	vmul.f32 $1.414213540e+00, v15;
	v21 =	vmul.f32 v19, v26  }
0x11c: {  	v16 =	vmul.f32 v16, v22;
	v10 =	vmul.f32 v24, v10;
	v11 =	vsel vm2, v11, v14  }
0x11d: {  	v22 =	vmul.f32 $5.000000000e-01, v11;
	v15 =	vsel vm6, v20, v15;
	v20 =	vmul.f32 v21, v19  }
0x11e: {  	vm5 =	vge.f32 v11, $2.000000000e+00;
	v21 =	vadd.f32 v12, v17;
	v17 =	vmul.f32 $3.906250000e-03, v15  }
0x11f: {  	v24 =	vmul.f32 v24, v8;
	[tilespmem:s21+$0xC800] =	vst v23;
	v23 =	vpop (erf);
	v11 =	vsel vm5, v22, v11;
	v20 =	vsub.f32 $1.500000000e+00, v20  }
0x120: {  	v8 =	vmul.f32 v23, v16;
	v16 =	vmul.f32 $6.553600000e+04, v11;
	v22 =	vsel vm7, v17, v15  }
0x121: {  	v13 =	vld [tilespmem:s20+$0x4800];
	v23 =	vmul.f32 $6.250000000e-02, v22;
	v15 =	vmul.f32 v20, v19  }
0x122: {  	s24 =	simm.s32 $0x30;
	v25 =	vmul.f32 v18, v25;
	v14 =	vld [tilespmem:s20+$0x8800];
	[tilespmem:s21+$0x9800] =	vst v10;
	vm6 =	vlt.f32 v11, $3.051757810e-05;
	v20 =	vmul.f32 $5.000000000e-01, v21  }
0x123: {  	v12 =	vld [tilespmem:s24+$0x2000];
	v16 =	vsel vm6, v16, v11;
	v21 =	vsel vm8, v23, v22;
	v22 =	vmul.f32 v15, v26  }
0x124: {  	v17 =	vld [tilespmem:s24+$0x6000];
	[tilespmem:s21+$0xA000] =	vst v24;
	v11 =	vsub.f32 $0.0e+00, v10;
	v23 =	vmul.f32 $2.560000000e+02, v16;
	v26 =	vmul.f32 $2.500000000e-01, v21  }
0x125: {  	v10 =	vld [tilespmem:s24+$0x1000];
	vm7 =	vlt.f32 v16, $7.812500000e-03;
	v8 =	vmul.f32 v20, v8;
	v20 =	vmul.f32 v22, v15  }
0x126: {  	v19 =	vld [tilespmem:s24+$0x1800];
	[tilespmem:s21+$0xB800] =	vst v11;
	v22 =	vsel vm7, v23, v16;
	v18 =	vsel vm9, v26, v21;
	v26 =	vsub.f32 $0.0e+00, v24  }
0x127: {  	v11 =	vld [tilespmem:s24+$0x5000];
	[tilespmem:s21+$0x9000] =	vst v25;
	v24 =	vmul.f32 $1.600000000e+01, v22;
	v21 =	vmul.f32 $5.000000000e-01, v18;
	v20 =	vsub.f32 $1.500000000e+00, v20  }
0x128: {  	s25 =	simm.s32 $0x100;
	v23 =	vld [tilespmem:s24+$0x5800];
	v16 =	vsub.f32 $0.0e+00, v25;
	vm8 =	vlt.f32 v22, $1.250000000e-01;
	[tilespmem:s21+$0xC000] =	vst v26  }
.LBB2_3:
0x129: {  	p0 =	sne.s32 s25, $0x1FC0;
	v25 =	vld [tilespmem:s24+$0x2800];
	v22 =	vsel vm8, v24, v22;
	v18 =	vsel vm1, v21, v18;
	v15 =	vmul.f32 v20, v15  }
0x12a: {  	v13 =	vadd.f32 v14, v13;
	v20 =	vld [tilespmem:s24+$0x6800];
	v21 =	vmul.f32 $4.000000000e+00, v22;
	v24 =	vmul.f32 $7.071067690e-01, v18;
	[tilespmem:s21+$0xB000] =	vst v16;
	s21 =	smov.u32 s20;
	s20 =	smov.u32 s22;
	s22 =	smov.u32 s24  }
0x12b: {  	v12 =	vsub.f32 v17, v12;
	vm1 =	vlt.f32 v22, $5.000000000e-01;
	v14 =	vld [tilespmem:s22+$0x3000];
	v9 =	vmul.f32 v15, v9  }
0x12c: {  	v15 =	vld [tilespmem:s22+$0x3800];
	v10 =	vsub.f32 v11, v10;
	v11 =	vsel vm1, v21, v22;
	v16 =	vsel vm0, v24, v18  }
0x12d: {  	v17 =	vld [tilespmem:s22+$0x7000];
	v18 =	vsub.f32 v23, v19;
	v19 =	vadd.f32 v11, v11;
	v16 =	vmul.f32 v9, v16  }
0x12e: {  	v13 =	vmul.f32 $5.000000000e-01, v13;
	vm0 =	vlt.f32 v11, $1.000000000e+00;
	v21 =	vld [tilespmem:s22+$0x7800];
	v22 =	vmul.f32 v10, v10  }
0x12f: {  	v23 =	vld [tilespmem:s22+$0x4000];
	v24 =	vmul.f32 v18, v18;
	v9 =	vsel vm0, v19, v11;
	v11 =	vadd.f32 $9.999999930e-09, v16  }
0x130: {  	v19 =	vadd.f32 v25, v25;
	v25 =	vadd.f32 v20, v25;
	v16 =	vld [tilespmem:s22+$0x8000];
	v26 =	vmul.f32 $-2.928999960e-01, v9  }
0x131: {  	v22 =	vadd.f32 v24, v22;
	v24 =	vmul.f32 v12, v12;
	v27 =	vmul.f32 v11, v13  }
0x132: {  	v13 =	vadd.f32 $9.999999930e-09, v25;
	v25 =	vadd.f32 $1.269999980e+00, v26;
	v26 =	vmul.f32 $5.000000000e-01, v9  }
0x133: {  	v14 =	vadd.f32 v17, v14;
	v22 =	vadd.f32 v24, v22;
	v17 =	vmul.f32 v27, v3;
	v3 =	vmovc v7  }
0x134: {  	v15 =	vadd.f32 v21, v15;
	v7 =	vmovc v12;
	(erf) = vrcp.f32 v13;
	v13 =	vmul.f32 v25, v26  }
0x135: {  	v21 =	vsel vm3, $0x41800000, v0;
	v12 =	vmul.f32 $3.906250000e-03, v22;
	[tilespmem:s21+$0xA800] =	vst v17;
	v17 =	vsub.f32 $0.0e+00, v17  }
0x136: {  	v24 =	vmul.f32 $4.000000000e+00, v21;
	vm3 =	vge.f32 v22, $2.560000000e+02;
	v13 =	vmul.f32 v13, v25  }
0x137: {  	v14 =	vmul.f32 v14, v10;
	v15 =	vmul.f32 v15, v18;
	v12 =	vsel vm3, v12, v22;
	[tilespmem:s21+$0xC800] =	vst v17  }
0x138: {  	v21 =	vsel vm4, v24, v21;
	v17 =	vmul.f32 $6.250000000e-02, v12;
	v13 =	vsub.f32 $1.500000000e+00, v13  }
0x139: {  	v16 =	vadd.f32 v16, v23;
	v22 =	vadd.f32 v21, v21;
	vm4 =	vge.f32 v12, $1.600000000e+01  }
0x13a: {  	v14 =	vadd.f32 v15, v14;
	v12 =	vsel vm4, v17, v12;
	v15 =	vmul.f32 v13, v25  }
0x13b: {  	v23 =	vmul.f32 v16, v7;
	v17 =	vsel vm2, v22, v21;
	v13 =	vmul.f32 $2.500000000e-01, v12  }
0x13c: {  	vm2 =	vge.f32 v12, $4.000000000e+00;
	v21 =	vmul.f32 $1.414213540e+00, v17;
	v22 =	vmul.f32 v15, v26  }
0x13d: {  	v14 =	vadd.f32 v23, v14;
	v12 =	vsel vm2, v13, v12;
	v13 =	vmul.f32 v20, v19;
	v16 =	vpop (erf)  }
0x13e: {  	v17 =	vsel vm5, v21, v17;
	v19 =	vmul.f32 $5.000000000e-01, v12;
	v20 =	vmul.f32 v22, v15  }
0x13f: {  	vm5 =	vge.f32 v12, $2.000000000e+00;
	v16 =	vmul.f32 v16, v13;
	v13 =	vmul.f32 $3.906250000e-03, v17  }
0x140: {  	v19 =	vsel vm5, v19, v12;
	v12 =	vmul.f32 $5.000000000e-01, v14;
	v14 =	vsub.f32 $1.500000000e+00, v20  }
0x141: {  	v21 =	vmul.f32 v27, v1;
	v1 =	vmovc v4;
	v4 =	vmovc v10;
	v20 =	vmul.f32 $6.553600000e+04, v19;
	v17 =	vsel vm6, v13, v17  }
0x142: {  	v13 =	vld [tilespmem:s20+$0x4800];
	v10 =	vmul.f32 $6.250000000e-02, v17;
	v15 =	vmul.f32 v14, v15  }
0x143: {  	s24 =	sshra.s32 s25, $0x2;
	v23 =	vmul.f32 v27, v2;
	v2 =	vmovc v5;
	vm6 =	vlt.f32 v19, $3.051757810e-05;
	v16 =	vmul.f32 v12, v16;
	v14 =	vld [tilespmem:s20+$0x8800];
	[tilespmem:s21+$0x9800] =	vst v21  }
0x144: {  	v5 =	vmovc v18;
	v20 =	vsel vm6, v20, v19;
	v12 =	vld [tilespmem:s24+$0x2000];
	v24 =	vsel vm7, v10, v17;
	v19 =	vmul.f32 v15, v26  }
.Ltmp0:
0x145: {  	v21 =	vsub.f32 $0.0e+00, v21;
	v18 =	vmul.f32 $2.560000000e+02, v20;
	v17 =	vld [tilespmem:s24+$0x6000];
	v25 =	vmul.f32 $2.500000000e-01, v24;
	[tilespmem:s21+$0xA000] =	vst v23;
	(pc) =	sbr.rel @p0 .LBB2_3-.Ltmp0, $4  }
0x146: {  	v27 =	vmul.f32 v11, v6;
	v6 =	vmovc v8;
	vm7 =	vlt.f32 v20, $7.812500000e-03;
	v8 =	vmovc v16;
	v10 =	vld [tilespmem:s24+$0x1000];
	v26 =	vmul.f32 v19, v15  }
0x147: {  	v22 =	vsel vm7, v18, v20;
	v19 =	vld [tilespmem:s24+$0x1800];
	v18 =	vsel vm8, v25, v24;
	[tilespmem:s21+$0xB800] =	vst v21;
	v25 =	vsub.f32 $0.0e+00, v23  }
0x148: {  	v24 =	vmul.f32 $1.600000000e+01, v22;
	v11 =	vld [tilespmem:s24+$0x5000];
	v21 =	vmul.f32 $5.000000000e-01, v18;
	v20 =	vsub.f32 $1.500000000e+00, v26;
	[tilespmem:s21+$0x9000] =	vst v27  }
0x149: {  	s25 =	sadd.s32 $0x40, s25;
	v16 =	vsub.f32 $0.0e+00, v27;
	vm8 =	vlt.f32 v22, $1.250000000e-01;
	v23 =	vld [tilespmem:s24+$0x5800];
	[tilespmem:s21+$0xC000] =	vst v25  }
0x14a: {  	_ =	sdelay $0x3  }
0x14b: {  	v11 =	vsub.f32 v11, v10;
	v10 =	vsub.f32 v23, v19;
	_ =	sdelay $0x1  }
0x14c: {  	v12 =	vsub.f32 v17, v12;
	v36 =	vmul.f32 v11, v11;
	v19 =	vmul.f32 v10, v10;
	_ =	sdelay $0x1  }
0x14d: {  	v37 =	vmul.f32 v12, v12;
	v17 =	vadd.f32 v19, v36;
	_ =	sdelay $0x1  }
0x14e: {  	v17 =	vadd.f32 v37, v17;
	_ =	sdelay $0x1  }
0x14f: {  	v19 =	vmul.f32 $3.906250000e-03, v17  }
0x150: {  	vm15 =	vge.f32 v17, $2.560000000e+02  }
0x151: {  	v17 =	vsel vm15, v19, v17  }
0x152: {  	v38 =	vsel vm8, v24, v22;
	v39 =	vmul.f32 $6.250000000e-02, v17  }
0x153: {  	v40 =	vmul.f32 $4.000000000e+00, v38;
	vm14 =	vge.f32 v17, $1.600000000e+01  }
0x154: {  	vm12 =	vlt.f32 v38, $5.000000000e-01;
	v17 =	vsel vm14, v39, v17  }
0x155: {  	v19 =	vsel vm12, v40, v38;
	v22 =	vmul.f32 $2.500000000e-01, v17  }
0x156: {  	v23 =	vadd.f32 v19, v19;
	vm13 =	vge.f32 v17, $4.000000000e+00  }
0x157: {  	vm11 =	vlt.f32 v19, $1.000000000e+00;
	v17 =	vsel vm13, v22, v17  }
0x158: {  	v19 =	vsel vm11, v23, v19;
	v22 =	vmul.f32 $5.000000000e-01, v17  }
0x159: {  	v23 =	vmul.f32 $-2.928999960e-01, v19;
	vm10 =	vge.f32 v17, $2.000000000e+00  }
0x15a: {  	v17 =	vsel vm10, v22, v17  }
0x15b: {  	v42 =	vmul.f32 $5.000000000e-01, v19;
	v41 =	vadd.f32 $1.269999980e+00, v23;
	v43 =	vmul.f32 $6.553600000e+04, v17  }
0x15c: {  	vm9 =	vlt.f32 v17, $3.051757810e-05  }
0x15d: {  	v26 =	vmul.f32 v41, v42;
	v17 =	vsel vm9, v43, v17  }
0x15e: {  	v25 =	vsel vm3, $0x41800000, v0;
	v18 =	vsel vm1, v21, v18;
	v27 =	vmul.f32 $2.560000000e+02, v17  }
0x15f: {  	v44 =	vmul.f32 $4.000000000e+00, v25;
	v45 =	vmul.f32 v26, v41;
	vm1 =	vlt.f32 v17, $7.812500000e-03  }
0x160: {  	v15 =	vmul.f32 v20, v15;
	v46 =	vmul.f32 $7.071067690e-01, v18;
	v17 =	vsel vm1, v27, v17  }
0x161: {  	v24 =	vsel vm4, v44, v25;
	v47 =	vsub.f32 $1.500000000e+00, v45;
	v48 =	vmul.f32 $1.600000000e+01, v17  }
0x162: {  	v18 =	vsel vm0, v46, v18;
	v49 =	vadd.f32 v24, v24;
	vm0 =	vlt.f32 v17, $1.250000000e-01  }
0x163: {  	v13 =	vadd.f32 v14, v13;
	v50 =	vmul.f32 v47, v41;
	v17 =	vsel vm0, v48, v17  }
0x164: {  	v9 =	vmul.f32 v15, v9;
	v51 =	vsel vm2, v49, v24;
	v52 =	vmul.f32 $4.000000000e+00, v17  }
0x165: {  	v53 =	vmul.f32 $1.414213540e+00, v51;
	v22 =	vmul.f32 v50, v42;
	vm2 =	vlt.f32 v17, $5.000000000e-01  }
0x166: {  	v13 =	vmul.f32 $5.000000000e-01, v13;
	v9 =	vmul.f32 v9, v18;
	v17 =	vsel vm2, v52, v17  }
0x167: {  	v15 =	vsel vm5, v53, v51;
	v54 =	vmul.f32 v22, v50;
	v55 =	vadd.f32 v17, v17  }
0x168: {  	v18 =	vld [tilespmem:s24+$0x6800];
	v9 =	vadd.f32 $9.999999930e-09, v9;
	v56 =	vmul.f32 $3.906250000e-03, v15;
	vm3 =	vlt.f32 v17, $1.000000000e+00  }
0x169: {  	v24 =	vld [tilespmem:s24+$0x2800];
	[tilespmem:s21+$0xB000] =	vst v16;
	v20 =	vsub.f32 $1.500000000e+00, v54;
	v17 =	vsel vm3, v55, v17  }
0x16a: {  	v57 =	vld [tilespmem:s24+$0x3000];
	v13 =	vmul.f32 v9, v13;
	v15 =	vsel vm6, v56, v15;
	v21 =	vmul.f32 $-2.928999960e-01, v17  }
0x16b: {  	v58 =	vld [tilespmem:s24+$0x3800];
	v60 =	vmul.f32 $6.250000000e-02, v15;
	v14 =	vmul.f32 v20, v50  }
0x16c: {  	v59 =	vld [tilespmem:s24+$0x7000];
	v3 =	vmul.f32 v13, v3;
	v62 =	vmul.f32 $5.000000000e-01, v17;
	v21 =	vadd.f32 $1.269999980e+00, v21  }
0x16d: {  	v61 =	vld [tilespmem:s24+$0x7800];
	v15 =	vsel vm7, v60, v15;
	v23 =	vmul.f32 v14, v42  }
0x16e: {  	v63 =	vld [tilespmem:s24+$0x4000];
	v29 =	vsub.f32 $0.0e+00, v3;
	v30 =	vmul.f32 $2.500000000e-01, v15;
	v31 =	vmul.f32 v21, v62  }
0x16f: {  	v28 =	vld [tilespmem:s24+$0x8000];
	[tilespmem:s20+$0xA800] =	vst v3;
	v32 =	vsel vm15, $0x41800000, v0;
	v3 =	vmul.f32 v23, v14  }
0x170: {  	[tilespmem:s20+$0xC800] =	vst v29;
	v35 =	vmul.f32 $4.000000000e+00, v32;
	v15 =	vsel vm8, v30, v15;
	v36 =	vmul.f32 v31, v21  }
0x171: {  	v37 =	vld [tilespmem:s22+$0x4800];
	v38 =	vmul.f32 $5.000000000e-01, v15;
	v3 =	vsub.f32 $1.500000000e+00, v3  }
0x172: {  	v39 =	vld [tilespmem:s22+$0x8800];
	v23 =	vsel vm14, v35, v32;
	v29 =	vsub.f32 $1.500000000e+00, v36  }
0x173: {  	v15 =	vsel vm12, v38, v15;
	v40 =	vadd.f32 v23, v23;
	v3 =	vmul.f32 v3, v14  }
0x174: {  	v41 =	vmul.f32 $7.071067690e-01, v15;
	v21 =	vmul.f32 v29, v21  }
0x175: {  	v14 =	vsel vm13, v40, v23;
	v3 =	vmul.f32 v3, v19  }
0x176: {  	v15 =	vsel vm11, v41, v15;
	v42 =	vmul.f32 $1.414213540e+00, v14;
	v43 =	vmul.f32 v21, v62  }
0x177: {  	v1 =	vmul.f32 v13, v1;
	v44 =	vadd.f32 v39, v37;
	v3 =	vmul.f32 v3, v15  }
0x178: {  	v2 =	vmul.f32 v13, v2;
	v45 =	vsel vm10, v42, v14;
	v46 =	vmul.f32 v43, v21  }
0x179: {  	v47 =	vmul.f32 $5.000000000e-01, v44;
	v19 =	vmul.f32 $3.906250000e-03, v45;
	v3 =	vadd.f32 $9.999999930e-09, v3  }
0x17a: {  	[tilespmem:s20+$0x9800] =	vst v1;
	v1 =	vsub.f32 $0.0e+00, v1;
	v14 =	vsub.f32 $1.500000000e+00, v46  }
0x17b: {  	v6 =	vmul.f32 v9, v6;
	[tilespmem:s20+$0xA000] =	vst v2;
	v13 =	vsel vm9, v19, v45;
	v48 =	vmul.f32 v3, v47  }
0x17c: {  	[tilespmem:s20+$0xB800] =	vst v1;
	v1 =	vsub.f32 $0.0e+00, v2;
	v2 =	vmul.f32 $6.250000000e-02, v13;
	v14 =	vmul.f32 v14, v21  }
0x17d: {  	[tilespmem:s20+$0x9000] =	vst v6;
	v6 =	vsub.f32 $0.0e+00, v6;
	v7 =	vmul.f32 v48, v7  }
0x17e: {  	[tilespmem:s20+$0xC000] =	vst v1;
	v1 =	vsel vm1, v2, v13;
	v2 =	vmul.f32 v14, v62  }
0x17f: {  	[tilespmem:s20+$0xB000] =	vst v6;
	v13 =	vmul.f32 $2.500000000e-01, v1;
	v49 =	vsub.f32 $0.0e+00, v7  }
0x180: {  	v50 =	vadd.f32 v18, v24;
	[tilespmem:s22+$0xA800] =	vst v7;
	v2 =	vmul.f32 v2, v14  }
0x181: {  	v1 =	vsel vm0, v13, v1;
	[tilespmem:s22+$0xC800] =	vst v49  }
0x182: {  	v6 =	vadd.f32 $9.999999930e-09, v50;
	v13 =	vmul.f32 $5.000000000e-01, v1;
	v7 =	vld [tilespmem:s24+$0x4800];
	v2 =	vsub.f32 $1.500000000e+00, v2  }
0x183: {  	v51 =	vld [tilespmem:s24+$0x8800]  }
0x184: {  	(erf) = vrcp.f32 v6;
	v1 =	vsel vm2, v13, v1;
	v2 =	vmul.f32 v2, v14  }
0x185: {  	v52 =	vadd.f32 v59, v57;
	v13 =	vmul.f32 $7.071067690e-01, v1  }
0x186: {  	v53 =	vadd.f32 v61, v58;
	v2 =	vmul.f32 v2, v17  }
0x187: {  	v56 =	vadd.f32 v24, v24;
	v54 =	vmul.f32 v52, v11;
	v1 =	vsel vm3, v13, v1  }
0x188: {  	v4 =	vmul.f32 v48, v4;
	v7 =	vadd.f32 v51, v7;
	v1 =	vmul.f32 v2, v1  }
0x189: {  	v55 =	vadd.f32 v28, v63;
	v5 =	vmul.f32 v48, v5;
	v2 =	vmul.f32 v53, v10  }
0x18a: {  	v3 =	vmul.f32 v3, v8;
	[tilespmem:s22+$0x9800] =	vst v4;
	v7 =	vmul.f32 $5.000000000e-01, v7;
	v1 =	vadd.f32 $9.999999930e-09, v1  }
0x18b: {  	v6 =	vmul.f32 v55, v12;
	v58 =	vsub.f32 $0.0e+00, v5;
	[tilespmem:s22+$0xA000] =	vst v5;
	v2 =	vadd.f32 v2, v54  }
0x18c: {  	v57 =	vmul.f32 v18, v56;
	v4 =	vsub.f32 $0.0e+00, v4;
	[tilespmem:s22+$0x9000] =	vst v3;
	v7 =	vmul.f32 v1, v7  }
0x18d: {  	v60 =	vpop (erf);
	v3 =	vsub.f32 $0.0e+00, v3;
	[tilespmem:s22+$0xC000] =	vst v58;
	v2 =	vadd.f32 v6, v2  }
0x18e: {  	v61 =	vmul.f32 v60, v57;
	[tilespmem:s22+$0xB800] =	vst v4;
	v59 =	vmul.f32 v7, v12  }
0x18f: {  	[tilespmem:s22+$0xB000] =	vst v3;
	v2 =	vmul.f32 $5.000000000e-01, v2;
	v62 =	vmul.f32 v7, v11  }
0x190: {  	v3 =	vsub.f32 $0.0e+00, v59;
	[tilespmem:s24+$0xA800] =	vst v59  }
0x191: {  	v2 =	vmul.f32 v2, v61;
	[tilespmem:s24+$0x9800] =	vst v62;
	v63 =	vsub.f32 $0.0e+00, v62  }
0x192: {  	[tilespmem:s24+$0xC800] =	vst v3;
	v3 =	vmul.f32 v7, v10  }
0x193: {  	v1 =	vmul.f32 v1, v2;
	[tilespmem:s24+$0xB800] =	vst v63  }
0x194: {  	[tilespmem:s24+$0xA000] =	vst v3;
	v2 =	vsub.f32 $0.0e+00, v3  }
0x195: {  	[tilespmem:s24+$0x9000] =	vst v1;
	v1 =	vsub.f32 $0.0e+00, v1  }
0x196: {  	[tilespmem:s24+$0xC000] =	vst v2  }
0x197: {  	[tilespmem:s24+$0xB000] =	vst v1;
	s24 =	simm.s32 $0x9000  }
0x198: {  	[spmem:s9] =	stream.indirect.scatter.add.f32 [tilespmem:s24], [sflag:$0x2], $0x1, s18, s18, $0xb8;
	[tilespmem:$0x1F600] =	vst v63  }
0x199: {  	_ =	swait.ge [sflag:s8], $0x800  }
0x19a: {  	[sflag:s8] =	ssyncset.done $0x0  }
0x19b: {  	s25 =	simm.s32 $0xB000;
	[sflag:s8] =	ssyncadd.s32 $0xFFFFF800  }
0x19c: {  	[spmem:s9] =	stream.indirect.scatter.add.f32 [tilespmem:s25], [sflag:$0x2], $0x1, s14, s18, $0xb8;
	[tilespmem:$0x1F600] =	vst v63  }
0x19d: {  	_ =	swait.ge [sflag:s8], $0x800  }
0x19e: {  	[sflag:s8] =	ssyncset.done $0x0  }
0x19f: {  	[sflag:s8] =	ssyncadd.s32 $0xFFFFF800  }
0x1a0: {  	[spmem:s11] =	stream.indirect.scatter.add.f32 [tilespmem:s26], [sflag:$0x2], $0x1, s18, s18, $0xb8;
	[tilespmem:$0x1F600] =	vst v63  }
0x1a1: {  	_ =	swait.ge [sflag:s8], $0x800  }
0x1a2: {  	[sflag:s8] =	ssyncset.done $0x0  }
0x1a3: {  	[sflag:s8] =	ssyncadd.s32 $0xFFFFF800  }
0x1a4: {  	[spmem:s11] =	stream.indirect.scatter.add.f32 [tilespmem:s28], [sflag:$0x2], $0x1, s14, s18, $0xb8;
	[tilespmem:$0x1F600] =	vst v63  }
0x1a5: {  	_ =	swait.ge [sflag:s8], $0x800  }
0x1a6: {  	[sflag:s8] =	ssyncset.done $0x0  }
0x1a7: {  	[sflag:s8] =	ssyncadd.s32 $0xFFFFF800  }
0x1a8: {  	[spmem:s12] =	stream.indirect.scatter.add.f32 [tilespmem:s29], [sflag:$0x2], $0x1, s18, s18, $0xb8;
	[tilespmem:$0x1F600] =	vst v63  }
0x1a9: {  	_ =	swait.ge [sflag:s8], $0x800  }
0x1aa: {  	[sflag:s8] =	ssyncset.done $0x0  }
0x1ab: {  	[sflag:s8] =	ssyncadd.s32 $0xFFFFF800  }
0x1ac: {  	[spmem:s12] =	stream.indirect.scatter.add.f32 [tilespmem:s30], [sflag:$0x2], $0x1, s14, s18, $0xb8;
	[tilespmem:$0x1F600] =	vst v63  }
0x1ad: {  	_ =	swait.ge [sflag:s8], $0x800  }
0x1ae: {  	[sflag:s8] =	ssyncset.done $0x0  }
0x1af: {  	[sflag:s8] =	ssyncadd.s32 $0xFFFFF800  }
0x1b0: {  	[spmem:s13] =	stream.indirect.scatter.add.f32 [tilespmem:s31], [sflag:$0x2], $0x1, s18, s18, $0xb8;
	[tilespmem:$0x1F600] =	vst v63  }
0x1b1: {  	s19 =	sadd.s32 $0x1, s19;
	_ =	swait.ge [sflag:s8], $0x800  }
0x1b2: {  	p0 =	sne.s32 s19, $0x62;
	[sflag:s8] =	ssyncset.done $0x0  }
.Ltmp1:
0x1b3: {  	[sflag:s8] =	ssyncadd.s32 $0xFFFFF800;
	(pc) =	sbr.rel @p0 .LBB2_2-.Ltmp1, $4  }
0x1b4: {  	[spmem:s13] =	stream.indirect.scatter.add.f32 [tilespmem:s17], [sflag:$0x2], $0x1, s14, s18, $0xb8;
	[tilespmem:$0x1F600] =	vst v63  }
0x1b5: {  	_ =	swait.ge [sflag:s8], $0x800  }
0x1b6: {  	[sflag:s8] =	ssyncset.done $0x0  }
0x1b7: {  	[sflag:s8] =	ssyncadd.s32 $0xFFFFF800  }
0x1b8: {  	[bflag:$0x0] =	sbarrier.arrive $0xFFFF  }
0x1b9: {  	s21 =	sld [smem:$0x7F1]  }
0x1ba: {  	s20 =	rddreg [dreg:$0x10]  }
0x1bb: {  	s19 =	rddreg [dreg:$0x1c]  }
0x1bc: {  	[hbm:s19], [sflag:s20] =	dma.local [spmem:s21], $0x310  }
0x1bd: {  	_ =	swait.ge [sflag:s8], $0x310  }
0x1be: {  	s22 =	sld [smem:$0x7F2]  }
0x1bf: {  	[sflag:s8] =	ssyncset.done $0x0  }
0x1c0: {  	s21 =	rddreg [dreg:$0x1d];
	[sflag:s8] =	ssyncadd.s32 $0xFFFFFCF0  }
0x1c1: {  	[hbm:s21], [sflag:s20] =	dma.local [spmem:s22], $0x310  }
0x1c2: {  	_ =	swait.ge [sflag:s8], $0x310  }
0x1c3: {  	s25 =	sld [smem:$0x7F3]  }
0x1c4: {  	[sflag:s8] =	ssyncset.done $0x0  }
0x1c5: {  	s24 =	rddreg [dreg:$0x1e];
	[sflag:s8] =	ssyncadd.s32 $0xFFFFFCF0  }
0x1c6: {  	[hbm:s24], [sflag:s20] =	dma.local [spmem:s25], $0x310  }
0x1c7: {  	_ =	swait.ge [sflag:s8], $0x310  }
0x1c8: {  	s22 =	sld [smem:$0x7F4]  }
0x1c9: {  	[sflag:s8] =	ssyncset.done $0x0  }
0x1ca: {  	s21 =	rddreg [dreg:$0x1f];
	[sflag:s8] =	ssyncadd.s32 $0xFFFFFCF0  }
0x1cb: {  	[hbm:s21], [sflag:s20] =	dma.local [spmem:s22], $0x310  }
0x1cc: {  	_ =	swait.ge [sflag:s8], $0x310  }
0x1cd: {  	s24 =	sld [smem:$0x7F0]  }
0x1ce: {  	s25 =	sld [smem:$0x7F5];
	_ =	sdelay $0x1  }
0x1cf: {  	s21 =	sadd.s32 $0x1, s24  }
0x1d0: {  	p0 =	sne.s32 s21, s25  }
.Ltmp2:
0x1d1: {  	_ = 	snop;
	(pc) =	sbr.rel @p0 .LBB2_1-.Ltmp2, $3  }
0x1d2: {  	_ =	sdelay $0x1  }
0x1d3: {  	[sflag:s8] =	ssyncset.done $0x0  }
0x1d4: {  	[sflag:s8] =	ssyncadd.s32 $0xFFFFFCF0  }
0x1d5: {  	_ =	sfence.sel $0x180000  }
0x1d6: {  	[bflag:$0x0] =	sbarrier.arrive $0xFFFF  }
0x1d7: {  	_ =	strace $0x90000047  }
0x1d8: {  	s0 =	stileid.u32;
	[bflag:$0x2] =	sbarrier.arrive $0xFFFF  }
0x1d9: {  	p0 =	sne.s32 s0, $0x0;
	s0 =	rddreg [dreg:$0xd]  }
0x1da: {  	s0 =	sadd.s32 @!p0 $0x100000, s0  }
0x1db: {  	[sflag:s0] =	ssyncadd.tile.s32 @!p0 $0x1;
	_ =	shalt  }
.Lfunc_end2:
_tile_overlayer_lowered:
.L_overlay_start_2:
0x1dc: {  	(tag) =	ssettag $0x2  }
0x1dd: {  	s0 =	rddreg [dreg:$0x0];
	s2 =	stileid.u32  }
0x1de: {  	s1 =	rddreg [dreg:$0x1];
	p0 =	sne.s32 s2, $0x0  }
0x1df: {  	s3 =	rddreg [dreg:$0x2];
	[bflag:$0x3] =	sbarrier.arrive $0xFFFF;
	s2 =	simm.s32 @!p0 $0x1C02  }
0x1e0: {  	[timem:s3], [sflag:s2] =	dma.local @!p0 [hbm:s0], s1  }
0x1e1: {  	s0 =	simm.s32 @!p0 $0x2  }
0x1e2: {  	_ =	swait.ge @!p0 [sflag:s0], s1  }
0x1e3: {  	s1 =	ssub.s32 @!p0 $0x0, s1;
	[sflag:s0] =	ssyncset.done @!p0 $0x0  }
0x1e4: {  	[sflag:s0] =	ssyncadd.s32 @!p0 s1  }
0x1e5: {  	[bflag:$0x3] =	sbarrier.arrive $0xFFFF  }
0x1e6: {  	_ =	shalt  }

</sc_bundles>
